<compile_context>
chip_gen: v7x
topology: tpu7x:2x2x1
jax: 0.10.2.dev20260603
libtpu: 0.0.44.dev20260713+nightly
codegen_flags: <defaults>
</compile_context>

<pallas_src>
import functools

import jax
import jax.numpy as jnp
from jax import lax
from jax.experimental import pallas as pl
from jax.experimental.pallas import tpu as pltpu
from jax.experimental.pallas import tpu_sc as plsc

_NC = 2
_NS = 16
_L = 16
_C = 80



def _proj_h_body(h_ref, wb, wd, we, bb, bd, be_, bh, dh, eh):
    hb = h_ref[...]
    bh[...] = jnp.dot(hb, wb[...], preferred_element_type=jnp.float32) + bb[...]
    dh[...] = jnp.dot(hb, wd[...], preferred_element_type=jnp.float32) + bd[...]
    eh[...] = jnp.dot(hb, we[...], preferred_element_type=jnp.float32) + be_[...]


def _proj_e_body(e_ref, wc, bc, ce):
    ce[...] = (jnp.dot(e_ref[...], wc[...], preferred_element_type=jnp.float32)
               + bc[...])



def _sc_edge_body(n_nodes, n_edges, hh,
                  src_hbm, dst_hbm, dhc_hbm, ehc_hbm, bhc_hbm, ce_hbm,
                  eij_hbm, num_hbm, den_hbm, stats_hbm,
                  src_v, dst_v, srcT_v, dstT_v,
                  dh_v, eh_v, bh_v, ce_v, eij_v, sg_v, sb_v,
                  st_v, zb_v, num_s, den_s,
                  sem1, sem2, sem3):
    c = lax.axis_index("c")
    s = lax.axis_index("s")
    G = hh // _L

    zero = jnp.zeros((_L,), jnp.float32)

    def zb_row(i, carry):
        for j in range(G):
            zb_v[i, pl.ds(j * _L, _L)] = zero
        return carry
    lax.fori_loop(0, _C, zb_row, 0)

    for j in range(2 * G):
        st_v[pl.ds(j * _L, _L)] = zero

    rpt = (-(-n_nodes // _NS) + _C - 1) // _C * _C
    base0 = s * rpt
    nrows = jnp.maximum(0, jnp.minimum(rpt, n_nodes - base0))
    ncopy = nrows // _C

    def z_copy(k, carry):
        off = base0 + k * _C
        pltpu.sync_copy(zb_v, num_s.at[pl.ds(off, _C)])
        pltpu.sync_copy(zb_v, den_s.at[pl.ds(off, _C)])
        return carry
    lax.fori_loop(0, ncopy, z_copy, 0)
    plsc.subcore_barrier()

    et = n_edges // _NS
    nch = et // _C
    t0 = s * et

    def chunk(g, carry):
        base = t0 + g * _C
        pltpu.sync_copy(src_hbm.at[pl.ds(base, _C)], src_v)
        pltpu.sync_copy(dst_hbm.at[pl.ds(base, _C)], dst_v)

        def mk_idx(i, cr):
            sl = pl.ds(i * _L, _L)
            srcT_v[sl] = src_v[sl] * 2 + c
            dstT_v[sl] = dst_v[sl] * 2 + c
            return cr
        lax.fori_loop(0, _C // _L, mk_idx, 0)

        cp1 = pltpu.async_copy(dhc_hbm.at[srcT_v], dh_v, sem1)
        cp2 = pltpu.async_copy(ehc_hbm.at[dstT_v], eh_v, sem2)
        cp3 = pltpu.async_copy(bhc_hbm.at[srcT_v], bh_v, sem3)
        pltpu.sync_copy(ce_hbm.at[pl.ds(base, _C), pl.ds(c * hh, hh)], ce_v)
        cp1.wait()
        cp2.wait()
        cp3.wait()

        def comp(i, cr):
            for j in range(G):
                sl = pl.ds(j * _L, _L)
                eij = ce_v[i, sl] + dh_v[i, sl] + eh_v[i, sl]
                eij_v[i, sl] = eij
                plsc.addupdate(st_v.at[pl.ds(j * _L, _L)], eij)
                plsc.addupdate(st_v.at[pl.ds(hh + j * _L, _L)], eij * eij)
                sg = 1.0 / (1.0 + jnp.exp(-eij))
                sg_v[i, sl] = sg
                sb_v[i, sl] = sg * bh_v[i, sl]
            return cr
        lax.fori_loop(0, _C, comp, 0)

        pltpu.sync_copy(eij_v, eij_hbm.at[pl.ds(base, _C), pl.ds(c * hh, hh)])
        pltpu.sync_copy(sg_v, den_s.at[dst_v], add=True)
        pltpu.sync_copy(sb_v, num_s.at[dst_v], add=True)
        return carry
    lax.fori_loop(0, nch, chunk, 0)

    plsc.subcore_barrier()
    noff = c * n_nodes

    def flush(k, carry):
        off = base0 + k * _C
        pltpu.sync_copy(num_s.at[pl.ds(off, _C)], num_hbm.at[pl.ds(noff + off, _C)])
        pltpu.sync_copy(den_s.at[pl.ds(off, _C)], den_hbm.at[pl.ds(noff + off, _C)])
        return carry
    lax.fori_loop(0, ncopy, flush, 0)
    pltpu.sync_copy(st_v, stats_hbm.at[c, s])



def _h_out_body(h_ref, wa_ref, ba_ref, numl_ref, numr_ref, denl_ref, denr_ref,
                g_ref, b_ref, out_ref):
    hb = h_ref[...]
    ah = jnp.dot(hb, wa_ref[...], preferred_element_type=jnp.float32) + ba_ref[...]
    num = jnp.concatenate([numl_ref[...], numr_ref[...]], axis=1)
    den = jnp.concatenate([denl_ref[...], denr_ref[...]], axis=1)
    h_new = ah + num / (den + 1e-6)
    mu = jnp.mean(h_new, axis=0)
    var = jnp.mean((h_new - mu) ** 2, axis=0)
    xn = (h_new - mu) / jnp.sqrt(var + 1e-5) * g_ref[...] + b_ref[...]
    out_ref[...] = hb + jnp.maximum(xn, 0.0)


def _e_out_body(n_edges, hh, e_ref, eij_ref, st_ref, g_ref, b_ref, out_ref):
    st = st_ref[...]
    ssum = jnp.concatenate([jnp.sum(st[0, :, :hh], axis=0),
                            jnp.sum(st[1, :, :hh], axis=0)])
    ssq = jnp.concatenate([jnp.sum(st[0, :, hh:], axis=0),
                           jnp.sum(st[1, :, hh:], axis=0)])
    mu = ssum / n_edges
    var = ssq / n_edges - mu * mu
    eij = eij_ref[...]
    xn = (eij - mu) / jnp.sqrt(var + 1e-5) * g_ref[...] + b_ref[...]
    out_ref[...] = e_ref[...] + jnp.maximum(xn, 0.0)



def kernel(h, edge_index, e, WA, bA, WB, bB, WC, bC, WD, bD, WE, bE,
           gamma_h, beta_h, gamma_e, beta_e):
    n, d = h.shape
    ne = e.shape[0]
    hh = d // 2
    f32 = jnp.float32

    src = edge_index[0].astype(jnp.int32)
    dst = edge_index[1].astype(jnp.int32)
    brow = lambda v: v.reshape(1, d).astype(f32)

    bn = 2000
    nb = n // bn
    full = lambda i: (i, 0)
    w_spec = pl.BlockSpec((d, d), lambda i: (0, 0))
    b_spec = pl.BlockSpec((1, d), lambda i: (0, 0))
    proj_h = pl.pallas_call(
        _proj_h_body,
        grid=(nb,),
        in_specs=[pl.BlockSpec((bn, d), full),
                  w_spec, w_spec, w_spec, b_spec, b_spec, b_spec],
        out_specs=[pl.BlockSpec((bn, d), full)] * 3,
        out_shape=[jax.ShapeDtypeStruct((n, d), f32)] * 3,
    )
    bh_t, dh_t, eh_t = proj_h(h, WB.astype(f32), WD.astype(f32),
                              WE.astype(f32), brow(bB), brow(bD), brow(bE))

    be = 2000
    nbe = ne // be
    proj_e = pl.pallas_call(
        _proj_e_body,
        grid=(nbe,),
        in_specs=[pl.BlockSpec((be, d), full), w_spec, b_spec],
        out_specs=pl.BlockSpec((be, d), full),
        out_shape=jax.ShapeDtypeStruct((ne, d), f32),
    )
    ce = proj_e(e, WC.astype(f32), brow(bC))

    mesh = plsc.VectorSubcoreMesh(core_axis_name="c", subcore_axis_name="s")
    sc_edge = pl.kernel(
        functools.partial(_sc_edge_body, n, ne, hh),
        out_type=(
            jax.ShapeDtypeStruct((ne, d), f32),
            jax.ShapeDtypeStruct((_NC * n, hh), f32),
            jax.ShapeDtypeStruct((_NC * n, hh), f32),
            jax.ShapeDtypeStruct((_NC, _NS, 2 * hh), f32),
        ),
        mesh=mesh,
        compiler_params=pltpu.CompilerParams(use_tc_tiling_on_sc=False),
        scratch_types=(
            [pltpu.VMEM((_C,), jnp.int32)] * 4
            + [pltpu.VMEM((_C, hh), f32)] * 7
            + [pltpu.VMEM((2 * hh,), f32), pltpu.VMEM((_C, hh), f32),
               pltpu.VMEM_SHARED((n, hh), f32),
               pltpu.VMEM_SHARED((n, hh), f32)]
            + [pltpu.SemaphoreType.DMA] * 3
        ),
    )
    eij, numc, denc, stats = sc_edge(src, dst,
                                     dh_t.reshape(_NC * n, hh),
                                     eh_t.reshape(_NC * n, hh),
                                     bh_t.reshape(_NC * n, hh),
                                     ce)

    h_out_call = pl.pallas_call(
        _h_out_body,
        grid=(1,),
        in_specs=[
            pl.BlockSpec((n, d), lambda i: (0, 0)),
            pl.BlockSpec((d, d), lambda i: (0, 0)),
            pl.BlockSpec((1, d), lambda i: (0, 0)),
            pl.BlockSpec((n, hh), lambda i: (0, 0)),
            pl.BlockSpec((n, hh), lambda i: (1, 0)),
            pl.BlockSpec((n, hh), lambda i: (0, 0)),
            pl.BlockSpec((n, hh), lambda i: (1, 0)),
            pl.BlockSpec((1, d), lambda i: (0, 0)),
            pl.BlockSpec((1, d), lambda i: (0, 0)),
        ],
        out_specs=pl.BlockSpec((n, d), lambda i: (0, 0)),
        out_shape=jax.ShapeDtypeStruct((n, d), f32),
    )
    h_out = h_out_call(h, WA.astype(f32), brow(bA), numc, numc, denc, denc,
                       brow(gamma_h), brow(beta_h))

    be2 = 4000
    nb2 = ne // be2
    e_out_call = pl.pallas_call(
        functools.partial(_e_out_body, ne, hh),
        grid=(nb2,),
        in_specs=[
            pl.BlockSpec((be2, d), full),
            pl.BlockSpec((be2, d), full),
            pl.BlockSpec((_NC, _NS, 2 * hh), lambda i: (0, 0, 0)),
            pl.BlockSpec((1, d), lambda i: (0, 0)),
            pl.BlockSpec((1, d), lambda i: (0, 0)),
        ],
        out_specs=pl.BlockSpec((be2, d), full),
        out_shape=jax.ShapeDtypeStruct((ne, d), f32),
    )
    e_out = e_out_call(e, eij, stats, brow(gamma_e), brow(beta_e))

    return (h_out, e_out)

# --- scband reference (transcript-rebuilt; emitter-appended) ---
"""Pipeline reference for scband-gated-gcnlayer-69269232550020 (READ-ONLY COPY).

The authoritative reference and input builder live on the scoring server;
editing this copy changes nothing except your own understanding.
"""

import jax, jax.numpy as jnp
import numpy as np

N = 10000
E = 320000
D = 128


def setup_inputs(seed: int = 0) -> dict:
    key = jax.random.key(seed)
    ks = jax.random.split(key, 16)
    h = jax.random.normal(ks[0], (N, D), jnp.float32)
    e = jax.random.normal(ks[1], (E, D), jnp.float32)
    edge_index = jax.random.randint(ks[2], (2, E), 0, N)
    s = 1.0 / np.sqrt(D)
    WA = jax.random.normal(ks[3], (D, D), jnp.float32) * s
    bA = jnp.zeros((D,), jnp.float32)
    WB = jax.random.normal(ks[4], (D, D), jnp.float32) * s
    bB = jnp.zeros((D,), jnp.float32)
    WC = jax.random.normal(ks[5], (D, D), jnp.float32) * s
    bC = jnp.zeros((D,), jnp.float32)
    WD = jax.random.normal(ks[6], (D, D), jnp.float32) * s
    bD = jnp.zeros((D,), jnp.float32)
    WE = jax.random.normal(ks[7], (D, D), jnp.float32) * s
    bE = jnp.zeros((D,), jnp.float32)
    gamma_h = jnp.ones((D,), jnp.float32)
    beta_h = jnp.zeros((D,), jnp.float32)
    gamma_e = jnp.ones((D,), jnp.float32)
    beta_e = jnp.zeros((D,), jnp.float32)
    return {"h": h, "edge_index": edge_index, "e": e,
            "WA": WA, "bA": bA, "WB": WB, "bB": bB, "WC": WC, "bC": bC,
            "WD": WD, "bD": bD, "WE": WE, "bE": bE,
            "gamma_h": gamma_h, "beta_h": beta_h, "gamma_e": gamma_e, "beta_e": beta_e}


def _bn(x, g, b):
    mu = jnp.mean(x, axis=0)
    var = jnp.var(x, axis=0)
    return (x - mu) / jnp.sqrt(var + 1e-5) * g + b


def reference(h, edge_index, e, WA, bA, WB, bB, WC, bC, WD, bD, WE, bE,
              gamma_h, beta_h, gamma_e, beta_e):
    src = edge_index[0]
    dst = edge_index[1]
    Ah = h @ WA + bA
    Bh = h @ WB + bB
    Ce = e @ WC + bC
    Dh = h @ WD + bD
    Eh = h @ WE + bE
    # message: e_ij = Ce + Dh[src] + Eh[dst]
    e_ij = Ce + jnp.take(Dh, src, axis=0) + jnp.take(Eh, dst, axis=0)
    sigma = jax.nn.sigmoid(e_ij)
    Bh_j = jnp.take(Bh, src, axis=0)
    num = jax.ops.segment_sum(sigma * Bh_j, dst, num_segments=h.shape[0])
    den = jax.ops.segment_sum(sigma, dst, num_segments=h.shape[0])
    h_new = Ah + num / (den + 1e-6)
    h_out = _bn(h_new, gamma_h, beta_h)
    e_out = _bn(e_ij, gamma_e, beta_e)
    h_out = jax.nn.relu(h_out)
    e_out = jax.nn.relu(e_out)
    h_out = h + h_out      # residual (indim == outdim)
    e_out = e + e_out
    # dropout p=0.0 -> identity
    return (h_out, e_out)

if __name__ == "__main__":
    import jax
    _d = setup_inputs()
    print(jax.jit(kernel)(*tuple(_d.values())))

</pallas_src>

<mosaic_0001>
#map = affine_map<(d0, d1) -> (0)>
#map1 = affine_map<(d0, d1) -> (0, 0)>
#map2 = affine_map<(d0, d1) -> (0, 0, 0)>
module attributes {stable_mosaic.version = 14 : i64} {
  func.func @_sc_edge_body(%arg0: i32, %arg1: i32, %arg2: memref<320000xi32, #tpu.memory_space<hbm>>, %arg3: memref<320000xi32, #tpu.memory_space<hbm>>, %arg4: memref<20000x64xf32, #tpu.memory_space<hbm>>, %arg5: memref<20000x64xf32, #tpu.memory_space<hbm>>, %arg6: memref<20000x64xf32, #tpu.memory_space<hbm>>, %arg7: memref<320000x128xf32, #tpu.memory_space<hbm>>, %arg8: memref<320000x128xf32, #tpu.memory_space<hbm>>, %arg9: memref<20000x64xf32, #tpu.memory_space<hbm>>, %arg10: memref<20000x64xf32, #tpu.memory_space<hbm>>, %arg11: memref<2x16x128xf32, #tpu.memory_space<hbm>>, %arg12: memref<80xi32, #tpu.memory_space<vmem>>, %arg13: memref<80xi32, #tpu.memory_space<vmem>>, %arg14: memref<80xi32, #tpu.memory_space<vmem>>, %arg15: memref<80xi32, #tpu.memory_space<vmem>>, %arg16: memref<80x64xf32, #tpu.memory_space<vmem>>, %arg17: memref<80x64xf32, #tpu.memory_space<vmem>>, %arg18: memref<80x64xf32, #tpu.memory_space<vmem>>, %arg19: memref<80x64xf32, #tpu.memory_space<vmem>>, %arg20: memref<80x64xf32, #tpu.memory_space<vmem>>, %arg21: memref<80x64xf32, #tpu.memory_space<vmem>>, %arg22: memref<80x64xf32, #tpu.memory_space<vmem>>, %arg23: memref<128xf32, #tpu.memory_space<vmem>>, %arg24: memref<80x64xf32, #tpu.memory_space<vmem>>, %arg25: memref<10000x64xf32, #tpu.memory_space<vmem_shared>>, %arg26: memref<10000x64xf32, #tpu.memory_space<vmem_shared>>, %arg27: memref<!tpu.dma_semaphore, #tpu.memory_space<semaphore_mem>>, %arg28: memref<!tpu.dma_semaphore, #tpu.memory_space<semaphore_mem>>, %arg29: memref<!tpu.dma_semaphore, #tpu.memory_space<semaphore_mem>>) attributes {dimension_semantics = [#tpu.dimension_semantics<core_parallel>, #tpu.dimension_semantics<subcore_parallel>], iteration_bounds = array<i64: 2, 16>, scalar_prefetch = 0 : i64, scratch_operands = 18 : i64, tpu.core_type = #tpu.core_type<sc_vector_subcore>, window_params = [{transform_indices = #map}, {transform_indices = #map}, {transform_indices = #map1}, {transform_indices = #map1}, {transform_indices = #map1}, {transform_indices = #map1}, {transform_indices = #map1}, {transform_indices = #map1}, {transform_indices = #map1}, {transform_indices = #map2}]} {
    %broadcast_in_dim3A = arith.constant 0.000000e+00 : f32
    %broadcast_in_dim3A_0 = vector.broadcast %broadcast_in_dim3A : f32 to vector<16xf32>
    %scan3A = arith.constant 0 : i32
    %scan3A_1 = arith.constant 0 : i32
    %scan3A_2 = arith.constant 80 : i32
    %scan3A_3 = arith.addi %scan3A_1, %scan3A_2 : i32
    %scan3A_4 = arith.constant 1 : i32
    scf.for %scan3A_88 = %scan3A_1 to %scan3A_3 step %scan3A_4  : i32 {
      %swap3A_89 = arith.index_cast %scan3A_88 : i32 to index
      %swap3A_90 = arith.constant 0 : index
      %swap3A_91 = tpu.vector_load %arg24[%swap3A_89, %swap3A_90] {strides = array<i32>} : memref<80x64xf32, #tpu.memory_space<vmem>>, vector<1x16xf32>,
      %swap3A_92 = vector.shape_cast %swap3A_91 : vector<1x16xf32> to vector<16xf32>
      %swap3A_93 = vector.shape_cast %broadcast_in_dim3A_0 : vector<16xf32> to vector<1x16xf32>
      tpu.vector_store %arg24[%swap3A_89, %swap3A_90], %swap3A_93 {strides = array<i32>} : memref<80x64xf32, #tpu.memory_space<vmem>>, vector<1x16xf32>,
      %swap3A_94 = arith.index_cast %scan3A_88 : i32 to index
      %swap3A_95 = arith.constant 16 : index
      %swap3A_96 = tpu.vector_load %arg24[%swap3A_94, %swap3A_95] {strides = array<i32>} : memref<80x64xf32, #tpu.memory_space<vmem>>, vector<1x16xf32>,
      %swap3A_97 = vector.shape_cast %swap3A_96 : vector<1x16xf32> to vector<16xf32>
      %swap3A_98 = vector.shape_cast %broadcast_in_dim3A_0 : vector<16xf32> to vector<1x16xf32>
      tpu.vector_store %arg24[%swap3A_94, %swap3A_95], %swap3A_98 {strides = array<i32>} : memref<80x64xf32, #tpu.memory_space<vmem>>, vector<1x16xf32>,
      %swap3A_99 = arith.index_cast %scan3A_88 : i32 to index
      %swap3A_100 = arith.constant 32 : index
      %swap3A_101 = tpu.vector_load %arg24[%swap3A_99, %swap3A_100] {strides = array<i32>} : memref<80x64xf32, #tpu.memory_space<vmem>>, vector<1x16xf32>,
      %swap3A_102 = vector.shape_cast %swap3A_101 : vector<1x16xf32> to vector<16xf32>
      %swap3A_103 = vector.shape_cast %broadcast_in_dim3A_0 : vector<16xf32> to vector<1x16xf32>
      tpu.vector_store %arg24[%swap3A_99, %swap3A_100], %swap3A_103 {strides = array<i32>} : memref<80x64xf32, #tpu.memory_space<vmem>>, vector<1x16xf32>,
      %swap3A_104 = arith.index_cast %scan3A_88 : i32 to index
      %swap3A_105 = arith.constant 48 : index
      %swap3A_106 = tpu.vector_load %arg24[%swap3A_104, %swap3A_105] {strides = array<i32>} : memref<80x64xf32, #tpu.memory_space<vmem>>, vector<1x16xf32>,
      %swap3A_107 = vector.shape_cast %swap3A_106 : vector<1x16xf32> to vector<16xf32>
      %swap3A_108 = vector.shape_cast %broadcast_in_dim3A_0 : vector<16xf32> to vector<1x16xf32>
      tpu.vector_store %arg24[%swap3A_104, %swap3A_105], %swap3A_108 {strides = array<i32>} : memref<80x64xf32, #tpu.memory_space<vmem>>, vector<1x16xf32>,
    }
    %scan3A_5 = arith.constant 80 : i32
    %swap3A = arith.constant 0 : index
    %swap3A_6 = tpu.vector_load %arg23[%swap3A] {strides = array<i32>} : memref<128xf32, #tpu.memory_space<vmem>>, vector<16xf32>,
    %swap3A_7 = vector.shape_cast %swap3A_6 : vector<16xf32> to vector<16xf32>
    %swap3A_8 = vector.shape_cast %broadcast_in_dim3A_0 : vector<16xf32> to vector<16xf32>
    tpu.vector_store %arg23[%swap3A], %swap3A_8 {strides = array<i32>} : memref<128xf32, #tpu.memory_space<vmem>>, vector<16xf32>,
    %swap3A_9 = arith.constant 16 : index
    %swap3A_10 = tpu.vector_load %arg23[%swap3A_9] {strides = array<i32>} : memref<128xf32, #tpu.memory_space<vmem>>, vector<16xf32>,
    %swap3A_11 = vector.shape_cast %swap3A_10 : vector<16xf32> to vector<16xf32>
    %swap3A_12 = vector.shape_cast %broadcast_in_dim3A_0 : vector<16xf32> to vector<16xf32>
    tpu.vector_store %arg23[%swap3A_9], %swap3A_12 {strides = array<i32>} : memref<128xf32, #tpu.memory_space<vmem>>, vector<16xf32>,
    %swap3A_13 = arith.constant 32 : index
    %swap3A_14 = tpu.vector_load %arg23[%swap3A_13] {strides = array<i32>} : memref<128xf32, #tpu.memory_space<vmem>>, vector<16xf32>,
    %swap3A_15 = vector.shape_cast %swap3A_14 : vector<16xf32> to vector<16xf32>
    %swap3A_16 = vector.shape_cast %broadcast_in_dim3A_0 : vector<16xf32> to vector<16xf32>
    tpu.vector_store %arg23[%swap3A_13], %swap3A_16 {strides = array<i32>} : memref<128xf32, #tpu.memory_space<vmem>>, vector<16xf32>,
    %swap3A_17 = arith.constant 48 : index
    %swap3A_18 = tpu.vector_load %arg23[%swap3A_17] {strides = array<i32>} : memref<128xf32, #tpu.memory_space<vmem>>, vector<16xf32>,
    %swap3A_19 = vector.shape_cast %swap3A_18 : vector<16xf32> to vector<16xf32>
    %swap3A_20 = vector.shape_cast %broadcast_in_dim3A_0 : vector<16xf32> to vector<16xf32>
    tpu.vector_store %arg23[%swap3A_17], %swap3A_20 {strides = array<i32>} : memref<128xf32, #tpu.memory_space<vmem>>, vector<16xf32>,
    %swap3A_21 = arith.constant 64 : index
    %swap3A_22 = tpu.vector_load %arg23[%swap3A_21] {strides = array<i32>} : memref<128xf32, #tpu.memory_space<vmem>>, vector<16xf32>,
    %swap3A_23 = vector.shape_cast %swap3A_22 : vector<16xf32> to vector<16xf32>
    %swap3A_24 = vector.shape_cast %broadcast_in_dim3A_0 : vector<16xf32> to vector<16xf32>
    tpu.vector_store %arg23[%swap3A_21], %swap3A_24 {strides = array<i32>} : memref<128xf32, #tpu.memory_space<vmem>>, vector<16xf32>,
    %swap3A_25 = arith.constant 80 : index
    %swap3A_26 = tpu.vector_load %arg23[%swap3A_25] {strides = array<i32>} : memref<128xf32, #tpu.memory_space<vmem>>, vector<16xf32>,
    %swap3A_27 = vector.shape_cast %swap3A_26 : vector<16xf32> to vector<16xf32>
    %swap3A_28 = vector.shape_cast %broadcast_in_dim3A_0 : vector<16xf32> to vector<16xf32>
    tpu.vector_store %arg23[%swap3A_25], %swap3A_28 {strides = array<i32>} : memref<128xf32, #tpu.memory_space<vmem>>, vector<16xf32>,
    %swap3A_29 = arith.constant 96 : index
    %swap3A_30 = tpu.vector_load %arg23[%swap3A_29] {strides = array<i32>} : memref<128xf32, #tpu.memory_space<vmem>>, vector<16xf32>,
    %swap3A_31 = vector.shape_cast %swap3A_30 : vector<16xf32> to vector<16xf32>
    %swap3A_32 = vector.shape_cast %broadcast_in_dim3A_0 : vector<16xf32> to vector<16xf32>
    tpu.vector_store %arg23[%swap3A_29], %swap3A_32 {strides = array<i32>} : memref<128xf32, #tpu.memory_space<vmem>>, vector<16xf32>,
    %swap3A_33 = arith.constant 112 : index
    %swap3A_34 = tpu.vector_load %arg23[%swap3A_33] {strides = array<i32>} : memref<128xf32, #tpu.memory_space<vmem>>, vector<16xf32>,
    %swap3A_35 = vector.shape_cast %swap3A_34 : vector<16xf32> to vector<16xf32>
    %swap3A_36 = vector.shape_cast %broadcast_in_dim3A_0 : vector<16xf32> to vector<16xf32>
    tpu.vector_store %arg23[%swap3A_33], %swap3A_36 {strides = array<i32>} : memref<128xf32, #tpu.memory_space<vmem>>, vector<16xf32>,
    %mul3A = arith.constant 640 : i32
    %mul3A_37 = arith.muli %arg1, %mul3A : i32
    %sub3A = arith.constant 10000 : i32
    %sub3A_38 = arith.subi %sub3A, %mul3A_37 : i32
    %min3A = arith.constant 640 : i32
    %min3A_39 = arith.minsi %min3A, %sub3A_38 : i32
    %max3A = arith.constant 0 : i32
    %max3A_40 = arith.maxsi %max3A, %min3A_39 : i32
    %jit3A = arith.constant 80 : i32
    %div3A = arith.divsi %max3A_40, %jit3A : i32
    %sign3A = arith.constant 0 : i32
    %sign3A_41 = arith.cmpi sgt, %max3A_40, %sign3A : i32
    %sign3A_42 = arith.extui %sign3A_41 : i1 to i32
    %sign3A_43 = arith.constant 0 : i32
    %sign3A_44 = arith.cmpi slt, %max3A_40, %sign3A_43 : i32
    %sign3A_45 = arith.extui %sign3A_44 : i1 to i32
    %sign3A_46 = arith.subi %sign3A_42, %sign3A_45 : i32
    %sign3A_47 = arith.constant 0 : i32
    %sign3A_48 = arith.cmpi sgt, %jit3A, %sign3A_47 : i32
    %sign3A_49 = arith.extui %sign3A_48 : i1 to i32
    %sign3A_50 = arith.constant 0 : i32
    %sign3A_51 = arith.cmpi slt, %jit3A, %sign3A_50 : i32
    %sign3A_52 = arith.extui %sign3A_51 : i1 to i32
    %sign3A_53 = arith.subi %sign3A_49, %sign3A_52 : i32
    %ne3A = arith.cmpi ne, %sign3A_46, %sign3A_53 : i32
    %rem3A = arith.remsi %max3A_40, %jit3A : i32
    %ne3A_54 = arith.constant 0 : i32
    %ne3A_55 = arith.cmpi ne, %rem3A, %ne3A_54 : i32
    %and3A = arith.andi %ne3A, %ne3A_55 : i1
    %sub3A_56 = arith.constant 1 : i32
    %sub3A_57 = arith.subi %div3A, %sub3A_56 : i32
    %select_n3A = arith.select %and3A, %sub3A_57, %div3A : i32
    %while3A = arith.constant 0 : i32
    %while3A_58 = arith.constant 0 : i32
    %while3A_59 = arith.subi %select_n3A, %while3A_58 : i32
    %while3A_60 = arith.addi %while3A_58, %while3A_59 : i32
    %while3A_61 = arith.constant 1 : i32
    %while3A_62 = arith.divsi %while3A_59, %while3A_61 : i32
    %while3A_63 = arith.muli %while3A_62, %while3A_61 : i32
    %while3A_64 = arith.addi %while3A_58, %while3A_63 : i32
    %while3A_65 = arith.constant 1 : i32
    scf.for %while3A_88 = %while3A_58 to %while3A_64 step %while3A_65  : i32 {
      %mul3A_89 = arith.constant 80 : i32
      %mul3A_90 = arith.muli %while3A_88, %mul3A_89 : i32
      %add3A = arith.addi %mul3A_37, %mul3A_90 : i32
      "tpu.region"() ({
        %run_scoped3A = tpu.sem_alloc : memref<!tpu.dma_semaphore, #tpu.memory_space<semaphore_mem>>
        %dma_start3A = arith.constant 0 : i32
        %dma_start3A_91 = tpu.memref_slice %arg25[%add3A, %dma_start3A] : memref<10000x64xf32, #tpu.memory_space<vmem_shared>> -> memref<80x64xf32, #tpu.memory_space<vmem_shared>>
        %dma_start3A_92 = arith.constant 0 : i32
        %dma_start3A_93 = tpu.memref_slice %arg25[%add3A, %dma_start3A_92] : memref<10000x64xf32, #tpu.memory_space<vmem_shared>> -> memref<80x64xf32, #tpu.memory_space<vmem_shared>>
        tpu.enqueue_dma source(%arg24 : memref<80x64xf32, #tpu.memory_space<vmem>>) target(%dma_start3A_93 : memref<80x64xf32, #tpu.memory_space<vmem_shared>>) target_semaphore(%run_scoped3A : memref<!tpu.dma_semaphore, #tpu.memory_space<semaphore_mem>>)
        %dma_wait3A = arith.constant 0 : i32
        %dma_wait3A_94 = tpu.memref_slice %arg25[%add3A, %dma_wait3A] : memref<10000x64xf32, #tpu.memory_space<vmem_shared>> -> memref<80x64xf32, #tpu.memory_space<vmem_shared>>
        %dma_wait3A_95 = arith.constant 0 : i32
        %dma_wait3A_96 = tpu.memref_slice %arg25[%add3A, %dma_wait3A_95] : memref<10000x64xf32, #tpu.memory_space<vmem_shared>> -> memref<80x64xf32, #tpu.memory_space<vmem_shared>>
        tpu.wait_dma2 semaphore(%run_scoped3A : memref<!tpu.dma_semaphore, #tpu.memory_space<semaphore_mem>>) src(%arg24 : memref<80x64xf32, #tpu.memory_space<vmem>>) dst(%dma_wait3A_96 : memref<80x64xf32, #tpu.memory_space<vmem_shared>>)
        tpu.yield
      }) : () -> ()
      "tpu.region"() ({
        %run_scoped3A = tpu.sem_alloc : memref<!tpu.dma_semaphore, #tpu.memory_space<semaphore_mem>>
        %dma_start3A = arith.constant 0 : i32
        %dma_start3A_91 = tpu.memref_slice %arg26[%add3A, %dma_start3A] : memref<10000x64xf32, #tpu.memory_space<vmem_shared>> -> memref<80x64xf32, #tpu.memory_space<vmem_shared>>
        %dma_start3A_92 = arith.constant 0 : i32
        %dma_start3A_93 = tpu.memref_slice %arg26[%add3A, %dma_start3A_92] : memref<10000x64xf32, #tpu.memory_space<vmem_shared>> -> memref<80x64xf32, #tpu.memory_space<vmem_shared>>
        tpu.enqueue_dma source(%arg24 : memref<80x64xf32, #tpu.memory_space<vmem>>) target(%dma_start3A_93 : memref<80x64xf32, #tpu.memory_space<vmem_shared>>) target_semaphore(%run_scoped3A : memref<!tpu.dma_semaphore, #tpu.memory_space<semaphore_mem>>)
        %dma_wait3A = arith.constant 0 : i32
        %dma_wait3A_94 = tpu.memref_slice %arg26[%add3A, %dma_wait3A] : memref<10000x64xf32, #tpu.memory_space<vmem_shared>> -> memref<80x64xf32, #tpu.memory_space<vmem_shared>>
        %dma_wait3A_95 = arith.constant 0 : i32
        %dma_wait3A_96 = tpu.memref_slice %arg26[%add3A, %dma_wait3A_95] : memref<10000x64xf32, #tpu.memory_space<vmem_shared>> -> memref<80x64xf32, #tpu.memory_space<vmem_shared>>
        tpu.wait_dma2 semaphore(%run_scoped3A : memref<!tpu.dma_semaphore, #tpu.memory_space<semaphore_mem>>) src(%arg24 : memref<80x64xf32, #tpu.memory_space<vmem>>) dst(%dma_wait3A_96 : memref<80x64xf32, #tpu.memory_space<vmem_shared>>)
        tpu.yield
      }) : () -> ()
    }
    %while3A_66 = arith.constant 1 : i32
    scf.for %while3A_88 = %while3A_64 to %while3A_60 step %while3A_66  : i32 {
      %mul3A_89 = arith.constant 80 : i32
      %mul3A_90 = arith.muli %while3A_88, %mul3A_89 : i32
      %add3A = arith.addi %mul3A_37, %mul3A_90 : i32
      "tpu.region"() ({
        %run_scoped3A = tpu.sem_alloc : memref<!tpu.dma_semaphore, #tpu.memory_space<semaphore_mem>>
        %dma_start3A = arith.constant 0 : i32
        %dma_start3A_91 = tpu.memref_slice %arg25[%add3A, %dma_start3A] : memref<10000x64xf32, #tpu.memory_space<vmem_shared>> -> memref<80x64xf32, #tpu.memory_space<vmem_shared>>
        %dma_start3A_92 = arith.constant 0 : i32
        %dma_start3A_93 = tpu.memref_slice %arg25[%add3A, %dma_start3A_92] : memref<10000x64xf32, #tpu.memory_space<vmem_shared>> -> memref<80x64xf32, #tpu.memory_space<vmem_shared>>
        tpu.enqueue_dma source(%arg24 : memref<80x64xf32, #tpu.memory_space<vmem>>) target(%dma_start3A_93 : memref<80x64xf32, #tpu.memory_space<vmem_shared>>) target_semaphore(%run_scoped3A : memref<!tpu.dma_semaphore, #tpu.memory_space<semaphore_mem>>)
        %dma_wait3A = arith.constant 0 : i32
        %dma_wait3A_94 = tpu.memref_slice %arg25[%add3A, %dma_wait3A] : memref<10000x64xf32, #tpu.memory_space<vmem_shared>> -> memref<80x64xf32, #tpu.memory_space<vmem_shared>>
        %dma_wait3A_95 = arith.constant 0 : i32
        %dma_wait3A_96 = tpu.memref_slice %arg25[%add3A, %dma_wait3A_95] : memref<10000x64xf32, #tpu.memory_space<vmem_shared>> -> memref<80x64xf32, #tpu.memory_space<vmem_shared>>
        tpu.wait_dma2 semaphore(%run_scoped3A : memref<!tpu.dma_semaphore, #tpu.memory_space<semaphore_mem>>) src(%arg24 : memref<80x64xf32, #tpu.memory_space<vmem>>) dst(%dma_wait3A_96 : memref<80x64xf32, #tpu.memory_space<vmem_shared>>)
        tpu.yield
      }) : () -> ()
      "tpu.region"() ({
        %run_scoped3A = tpu.sem_alloc : memref<!tpu.dma_semaphore, #tpu.memory_space<semaphore_mem>>
        %dma_start3A = arith.constant 0 : i32
        %dma_start3A_91 = tpu.memref_slice %arg26[%add3A, %dma_start3A] : memref<10000x64xf32, #tpu.memory_space<vmem_shared>> -> memref<80x64xf32, #tpu.memory_space<vmem_shared>>
        %dma_start3A_92 = arith.constant 0 : i32
        %dma_start3A_93 = tpu.memref_slice %arg26[%add3A, %dma_start3A_92] : memref<10000x64xf32, #tpu.memory_space<vmem_shared>> -> memref<80x64xf32, #tpu.memory_space<vmem_shared>>
        tpu.enqueue_dma source(%arg24 : memref<80x64xf32, #tpu.memory_space<vmem>>) target(%dma_start3A_93 : memref<80x64xf32, #tpu.memory_space<vmem_shared>>) target_semaphore(%run_scoped3A : memref<!tpu.dma_semaphore, #tpu.memory_space<semaphore_mem>>)
        %dma_wait3A = arith.constant 0 : i32
        %dma_wait3A_94 = tpu.memref_slice %arg26[%add3A, %dma_wait3A] : memref<10000x64xf32, #tpu.memory_space<vmem_shared>> -> memref<80x64xf32, #tpu.memory_space<vmem_shared>>
        %dma_wait3A_95 = arith.constant 0 : i32
        %dma_wait3A_96 = tpu.memref_slice %arg26[%add3A, %dma_wait3A_95] : memref<10000x64xf32, #tpu.memory_space<vmem_shared>> -> memref<80x64xf32, #tpu.memory_space<vmem_shared>>
        tpu.wait_dma2 semaphore(%run_scoped3A : memref<!tpu.dma_semaphore, #tpu.memory_space<semaphore_mem>>) src(%arg24 : memref<80x64xf32, #tpu.memory_space<vmem>>) dst(%dma_wait3A_96 : memref<80x64xf32, #tpu.memory_space<vmem_shared>>)
        tpu.yield
      }) : () -> ()
    }
    %barrier3A = arith.constant 0 : index
    tpu.barrier barrier_id(%barrier3A)
    %mul3A_67 = arith.constant 20000 : i32
    %mul3A_68 = arith.muli %arg1, %mul3A_67 : i32
    %scan3A_69 = arith.constant 0 : i32
    %scan3A_70 = arith.constant 0 : i32
    %scan3A_71 = arith.constant 250 : i32
    %scan3A_72 = arith.addi %scan3A_70, %scan3A_71 : i32
    %scan3A_73 = arith.constant 1 : i32
    scf.for %scan3A_88 = %scan3A_70 to %scan3A_72 step %scan3A_73  : i32 {
      %mul3A_89 = arith.constant 80 : i32
      %mul3A_90 = arith.muli %scan3A_88, %mul3A_89 : i32
      %add3A = arith.addi %mul3A_68, %mul3A_90 : i32
      "tpu.region"() ({
        %run_scoped3A = tpu.sem_alloc : memref<!tpu.dma_semaphore, #tpu.memory_space<semaphore_mem>>
        %dma_start3A_123 = tpu.memref_slice %arg2[%add3A] : memref<320000xi32, #tpu.memory_space<hbm>> -> memref<80xi32, #tpu.memory_space<hbm>>
        %dma_start3A_124 = tpu.memref_slice %arg2[%add3A] : memref<320000xi32, #tpu.memory_space<hbm>> -> memref<80xi32, #tpu.memory_space<hbm>>
        tpu.enqueue_dma source(%dma_start3A_124 : memref<80xi32, #tpu.memory_space<hbm>>) target(%arg12 : memref<80xi32, #tpu.memory_space<vmem>>) target_semaphore(%run_scoped3A : memref<!tpu.dma_semaphore, #tpu.memory_space<semaphore_mem>>)
        %dma_wait3A_125 = tpu.memref_slice %arg2[%add3A] : memref<320000xi32, #tpu.memory_space<hbm>> -> memref<80xi32, #tpu.memory_space<hbm>>
        %dma_wait3A_126 = tpu.memref_slice %arg2[%add3A] : memref<320000xi32, #tpu.memory_space<hbm>> -> memref<80xi32, #tpu.memory_space<hbm>>
        tpu.wait_dma2 semaphore(%run_scoped3A : memref<!tpu.dma_semaphore, #tpu.memory_space<semaphore_mem>>) src(%dma_wait3A_126 : memref<80xi32, #tpu.memory_space<hbm>>) dst(%arg12 : memref<80xi32, #tpu.memory_space<vmem>>)
        tpu.yield
      }) : () -> ()
      "tpu.region"() ({
        %run_scoped3A = tpu.sem_alloc : memref<!tpu.dma_semaphore, #tpu.memory_space<semaphore_mem>>
        %dma_start3A_123 = tpu.memref_slice %arg3[%add3A] : memref<320000xi32, #tpu.memory_space<hbm>> -> memref<80xi32, #tpu.memory_space<hbm>>
        %dma_start3A_124 = tpu.memref_slice %arg3[%add3A] : memref<320000xi32, #tpu.memory_space<hbm>> -> memref<80xi32, #tpu.memory_space<hbm>>
        tpu.enqueue_dma source(%dma_start3A_124 : memref<80xi32, #tpu.memory_space<hbm>>) target(%arg13 : memref<80xi32, #tpu.memory_space<vmem>>) target_semaphore(%run_scoped3A : memref<!tpu.dma_semaphore, #tpu.memory_space<semaphore_mem>>)
        %dma_wait3A_125 = tpu.memref_slice %arg3[%add3A] : memref<320000xi32, #tpu.memory_space<hbm>> -> memref<80xi32, #tpu.memory_space<hbm>>
        %dma_wait3A_126 = tpu.memref_slice %arg3[%add3A] : memref<320000xi32, #tpu.memory_space<hbm>> -> memref<80xi32, #tpu.memory_space<hbm>>
        tpu.wait_dma2 semaphore(%run_scoped3A : memref<!tpu.dma_semaphore, #tpu.memory_space<semaphore_mem>>) src(%dma_wait3A_126 : memref<80xi32, #tpu.memory_space<hbm>>) dst(%arg13 : memref<80xi32, #tpu.memory_space<vmem>>)
        tpu.yield
      }) : () -> ()
      %scan3A_91 = arith.constant 0 : i32
      %scan3A_92 = arith.constant 0 : i32
      %scan3A_93 = arith.constant 5 : i32
      %scan3A_94 = arith.addi %scan3A_92, %scan3A_93 : i32
      %scan3A_95 = arith.constant 1 : i32
      scf.for %scan3A_123 = %scan3A_92 to %scan3A_94 step %scan3A_95  : i32 {
        %mul3A_124 = arith.constant 16 : i32
        %mul3A_125 = arith.muli %scan3A_123, %mul3A_124 : i32
        %get3A = arith.index_cast %mul3A_125 : i32 to index
        %get3A_126 = tpu.vector_load %arg12[%get3A] {strides = array<i32>} : memref<80xi32, #tpu.memory_space<vmem>>, vector<16xi32>,
        %get3A_127 = vector.shape_cast %get3A_126 : vector<16xi32> to vector<16xi32>
        %mul3A_128 = arith.constant 2 : i32
        %mul3A_129 = vector.broadcast %mul3A_128 : i32 to vector<16xi32>
        %mul3A_130 = arith.muli %get3A_127, %mul3A_129 : vector<16xi32>
        %add3A_131 = vector.broadcast %arg0 : i32 to vector<16xi32>
        %add3A_132 = arith.addi %mul3A_130, %add3A_131 : vector<16xi32>
        %swap3A_133 = arith.index_cast %mul3A_125 : i32 to index
        %swap3A_134 = tpu.vector_load %arg14[%swap3A_133] {strides = array<i32>} : memref<80xi32, #tpu.memory_space<vmem>>, vector<16xi32>,
        %swap3A_135 = vector.shape_cast %swap3A_134 : vector<16xi32> to vector<16xi32>
        %swap3A_136 = vector.shape_cast %add3A_132 : vector<16xi32> to vector<16xi32>
        tpu.vector_store %arg14[%swap3A_133], %swap3A_136 {strides = array<i32>} : memref<80xi32, #tpu.memory_space<vmem>>, vector<16xi32>,
        %get3A_137 = arith.index_cast %mul3A_125 : i32 to index
        %get3A_138 = tpu.vector_load %arg13[%get3A_137] {strides = array<i32>} : memref<80xi32, #tpu.memory_space<vmem>>, vector<16xi32>,
        %get3A_139 = vector.shape_cast %get3A_138 : vector<16xi32> to vector<16xi32>
        %mul3A_140 = arith.constant 2 : i32
        %mul3A_141 = vector.broadcast %mul3A_140 : i32 to vector<16xi32>
        %mul3A_142 = arith.muli %get3A_139, %mul3A_141 : vector<16xi32>
        %add3A_143 = vector.broadcast %arg0 : i32 to vector<16xi32>
        %add3A_144 = arith.addi %mul3A_142, %add3A_143 : vector<16xi32>
        %swap3A_145 = arith.index_cast %mul3A_125 : i32 to index
        %swap3A_146 = tpu.vector_load %arg15[%swap3A_145] {strides = array<i32>} : memref<80xi32, #tpu.memory_space<vmem>>, vector<16xi32>,
        %swap3A_147 = vector.shape_cast %swap3A_146 : vector<16xi32> to vector<16xi32>
        %swap3A_148 = vector.shape_cast %add3A_144 : vector<16xi32> to vector<16xi32>
        tpu.vector_store %arg15[%swap3A_145], %swap3A_148 {strides = array<i32>} : memref<80xi32, #tpu.memory_space<vmem>>, vector<16xi32>,
      }
      %scan3A_96 = arith.constant 5 : i32
      %dma_start3A = arith.constant 0 : i32
      %dma_start3A_97 = arith.constant 0 : i32
      %dma_start3A_98 = tpu.memref_slice %arg4[%dma_start3A, %dma_start3A_97] : memref<20000x64xf32, #tpu.memory_space<hbm>> -> memref<20000x64xf32, #tpu.memory_space<hbm>>
      tpu.enqueue_indirect_dma source(%dma_start3A_98 : memref<20000x64xf32, #tpu.memory_space<hbm>>) target(%arg16 : memref<80x64xf32, #tpu.memory_space<vmem>>) offsets(%arg14 : memref<80xi32, #tpu.memory_space<vmem>>) semaphore(%arg27 : memref<!tpu.dma_semaphore, #tpu.memory_space<semaphore_mem>>)
      %dma_start3A_99 = arith.constant 0 : i32
      %dma_start3A_100 = arith.constant 0 : i32
      %dma_start3A_101 = tpu.memref_slice %arg5[%dma_start3A_99, %dma_start3A_100] : memref<20000x64xf32, #tpu.memory_space<hbm>> -> memref<20000x64xf32, #tpu.memory_space<hbm>>
      tpu.enqueue_indirect_dma source(%dma_start3A_101 : memref<20000x64xf32, #tpu.memory_space<hbm>>) target(%arg17 : memref<80x64xf32, #tpu.memory_space<vmem>>) offsets(%arg15 : memref<80xi32, #tpu.memory_space<vmem>>) semaphore(%arg28 : memref<!tpu.dma_semaphore, #tpu.memory_space<semaphore_mem>>)
      %dma_start3A_102 = arith.constant 0 : i32
      %dma_start3A_103 = arith.constant 0 : i32
      %dma_start3A_104 = tpu.memref_slice %arg6[%dma_start3A_102, %dma_start3A_103] : memref<20000x64xf32, #tpu.memory_space<hbm>> -> memref<20000x64xf32, #tpu.memory_space<hbm>>
      tpu.enqueue_indirect_dma source(%dma_start3A_104 : memref<20000x64xf32, #tpu.memory_space<hbm>>) target(%arg18 : memref<80x64xf32, #tpu.memory_space<vmem>>) offsets(%arg14 : memref<80xi32, #tpu.memory_space<vmem>>) semaphore(%arg29 : memref<!tpu.dma_semaphore, #tpu.memory_space<semaphore_mem>>)
      %mul3A_105 = arith.constant 64 : i32
      %mul3A_106 = arith.muli %arg0, %mul3A_105 : i32
      "tpu.region"() ({
        %run_scoped3A = tpu.sem_alloc : memref<!tpu.dma_semaphore, #tpu.memory_space<semaphore_mem>>
        %dma_start3A_123 = tpu.memref_slice %arg7[%add3A, %mul3A_106] : memref<320000x128xf32, #tpu.memory_space<hbm>> -> memref<80x64xf32, #tpu.memory_space<hbm>>
        %dma_start3A_124 = tpu.memref_slice %arg7[%add3A, %mul3A_106] : memref<320000x128xf32, #tpu.memory_space<hbm>> -> memref<80x64xf32, #tpu.memory_space<hbm>>
        tpu.enqueue_dma source(%dma_start3A_124 : memref<80x64xf32, #tpu.memory_space<hbm>>) target(%arg19 : memref<80x64xf32, #tpu.memory_space<vmem>>) target_semaphore(%run_scoped3A : memref<!tpu.dma_semaphore, #tpu.memory_space<semaphore_mem>>)
        %dma_wait3A_125 = tpu.memref_slice %arg7[%add3A, %mul3A_106] : memref<320000x128xf32, #tpu.memory_space<hbm>> -> memref<80x64xf32, #tpu.memory_space<hbm>>
        %dma_wait3A_126 = tpu.memref_slice %arg7[%add3A, %mul3A_106] : memref<320000x128xf32, #tpu.memory_space<hbm>> -> memref<80x64xf32, #tpu.memory_space<hbm>>
        tpu.wait_dma2 semaphore(%run_scoped3A : memref<!tpu.dma_semaphore, #tpu.memory_space<semaphore_mem>>) src(%dma_wait3A_126 : memref<80x64xf32, #tpu.memory_space<hbm>>) dst(%arg19 : memref<80x64xf32, #tpu.memory_space<vmem>>)
        tpu.yield
      }) : () -> ()
      %dma_wait3A = arith.constant 0 : i32
      %dma_wait3A_107 = arith.constant 0 : i32
      %dma_wait3A_108 = tpu.memref_slice %arg4[%dma_wait3A, %dma_wait3A_107] : memref<20000x64xf32, #tpu.memory_space<hbm>> -> memref<20000x64xf32, #tpu.memory_space<hbm>>
      tpu.wait_indirect_dma semaphore(%arg27 : memref<!tpu.dma_semaphore, #tpu.memory_space<semaphore_mem>>) src(%dma_wait3A_108 : memref<20000x64xf32, #tpu.memory_space<hbm>>) dst(%arg16 : memref<80x64xf32, #tpu.memory_space<vmem>>)
      %dma_wait3A_109 = arith.constant 0 : i32
      %dma_wait3A_110 = arith.constant 0 : i32
      %dma_wait3A_111 = tpu.memref_slice %arg5[%dma_wait3A_109, %dma_wait3A_110] : memref<20000x64xf32, #tpu.memory_space<hbm>> -> memref<20000x64xf32, #tpu.memory_space<hbm>>
      tpu.wait_indirect_dma semaphore(%arg28 : memref<!tpu.dma_semaphore, #tpu.memory_space<semaphore_mem>>) src(%dma_wait3A_111 : memref<20000x64xf32, #tpu.memory_space<hbm>>) dst(%arg17 : memref<80x64xf32, #tpu.memory_space<vmem>>)
      %dma_wait3A_112 = arith.constant 0 : i32
      %dma_wait3A_113 = arith.constant 0 : i32
      %dma_wait3A_114 = tpu.memref_slice %arg6[%dma_wait3A_112, %dma_wait3A_113] : memref<20000x64xf32, #tpu.memory_space<hbm>> -> memref<20000x64xf32, #tpu.memory_space<hbm>>
      tpu.wait_indirect_dma semaphore(%arg29 : memref<!tpu.dma_semaphore, #tpu.memory_space<semaphore_mem>>) src(%dma_wait3A_114 : memref<20000x64xf32, #tpu.memory_space<hbm>>) dst(%arg18 : memref<80x64xf32, #tpu.memory_space<vmem>>)
      %scan3A_115 = arith.constant 0 : i32
      %scan3A_116 = arith.constant 0 : i32
      %scan3A_117 = arith.constant 80 : i32
      %scan3A_118 = arith.addi %scan3A_116, %scan3A_117 : i32
      %scan3A_119 = arith.constant 1 : i32
      scf.for %scan3A_123 = %scan3A_116 to %scan3A_118 step %scan3A_119  : i32 {
        %get3A = arith.index_cast %scan3A_123 : i32 to index
        %get3A_124 = arith.constant 0 : index
        %get3A_125 = tpu.vector_load %arg19[%get3A, %get3A_124] {strides = array<i32>} : memref<80x64xf32, #tpu.memory_space<vmem>>, vector<1x16xf32>,
        %get3A_126 = vector.shape_cast %get3A_125 : vector<1x16xf32> to vector<16xf32>
        %get3A_127 = arith.index_cast %scan3A_123 : i32 to index
        %get3A_128 = arith.constant 0 : index
        %get3A_129 = tpu.vector_load %arg16[%get3A_127, %get3A_128] {strides = array<i32>} : memref<80x64xf32, #tpu.memory_space<vmem>>, vector<1x16xf32>,
        %get3A_130 = vector.shape_cast %get3A_129 : vector<1x16xf32> to vector<16xf32>
        %add3A_131 = arith.addf %get3A_126, %get3A_130 : vector<16xf32>
        %get3A_132 = arith.index_cast %scan3A_123 : i32 to index
        %get3A_133 = arith.constant 0 : index
        %get3A_134 = tpu.vector_load %arg17[%get3A_132, %get3A_133] {strides = array<i32>} : memref<80x64xf32, #tpu.memory_space<vmem>>, vector<1x16xf32>,
        %get3A_135 = vector.shape_cast %get3A_134 : vector<1x16xf32> to vector<16xf32>
        %add3A_136 = arith.addf %add3A_131, %get3A_135 : vector<16xf32>
        %swap3A_137 = arith.index_cast %scan3A_123 : i32 to index
        %swap3A_138 = arith.constant 0 : index
        %swap3A_139 = tpu.vector_load %arg20[%swap3A_137, %swap3A_138] {strides = array<i32>} : memref<80x64xf32, #tpu.memory_space<vmem>>, vector<1x16xf32>,
        %swap3A_140 = vector.shape_cast %swap3A_139 : vector<1x16xf32> to vector<16xf32>
        %swap3A_141 = vector.shape_cast %add3A_136 : vector<16xf32> to vector<1x16xf32>
        tpu.vector_store %arg20[%swap3A_137, %swap3A_138], %swap3A_141 {strides = array<i32>} : memref<80x64xf32, #tpu.memory_space<vmem>>, vector<1x16xf32>,
        %swap3A_142 = arith.constant 0 : index
        %swap3A_143 = tpu.vector_load %arg23[%swap3A_142] {strides = array<i32>} : memref<128xf32, #tpu.memory_space<vmem>>, vector<16xf32>,
        %swap3A_144 = vector.shape_cast %swap3A_143 : vector<16xf32> to vector<16xf32>
        %swap3A_145 = vector.shape_cast %add3A_136 : vector<16xf32> to vector<16xf32>
        tpu.vector_store %arg23[%swap3A_142], %swap3A_145 {add = true, strides = array<i32>} : memref<128xf32, #tpu.memory_space<vmem>>, vector<16xf32>,
        %mul3A_146 = arith.mulf %add3A_136, %add3A_136 : vector<16xf32>
        %swap3A_147 = arith.constant 64 : index
        %swap3A_148 = tpu.vector_load %arg23[%swap3A_147] {strides = array<i32>} : memref<128xf32, #tpu.memory_space<vmem>>, vector<16xf32>,
        %swap3A_149 = vector.shape_cast %swap3A_148 : vector<16xf32> to vector<16xf32>
        %swap3A_150 = vector.shape_cast %mul3A_146 : vector<16xf32> to vector<16xf32>
        tpu.vector_store %arg23[%swap3A_147], %swap3A_150 {add = true, strides = array<i32>} : memref<128xf32, #tpu.memory_space<vmem>>, vector<16xf32>,
        %neg3A = arith.constant 0.000000e+00 : f32
        %neg3A_151 = vector.broadcast %neg3A : f32 to vector<16xf32>
        %neg3A_152 = arith.subf %neg3A_151, %add3A_136 : vector<16xf32>
        %exp3A = math.exp %neg3A_152 : vector<16xf32>
        %add3A_153 = arith.constant 1.000000e+00 : f32
        %add3A_154 = vector.broadcast %add3A_153 : f32 to vector<16xf32>
        %add3A_155 = arith.addf %add3A_154, %exp3A : vector<16xf32>
        %div3A_156 = arith.constant 1.000000e+00 : f32
        %div3A_157 = vector.broadcast %div3A_156 : f32 to vector<16xf32>
        %div3A_158 = arith.divf %div3A_157, %add3A_155 : vector<16xf32>
        %swap3A_159 = arith.index_cast %scan3A_123 : i32 to index
        %swap3A_160 = arith.constant 0 : index
        %swap3A_161 = tpu.vector_load %arg21[%swap3A_159, %swap3A_160] {strides = array<i32>} : memref<80x64xf32, #tpu.memory_space<vmem>>, vector<1x16xf32>,
        %swap3A_162 = vector.shape_cast %swap3A_161 : vector<1x16xf32> to vector<16xf32>
        %swap3A_163 = vector.shape_cast %div3A_158 : vector<16xf32> to vector<1x16xf32>
        tpu.vector_store %arg21[%swap3A_159, %swap3A_160], %swap3A_163 {strides = array<i32>} : memref<80x64xf32, #tpu.memory_space<vmem>>, vector<1x16xf32>,
        %get3A_164 = arith.index_cast %scan3A_123 : i32 to index
        %get3A_165 = arith.constant 0 : index
        %get3A_166 = tpu.vector_load %arg18[%get3A_164, %get3A_165] {strides = array<i32>} : memref<80x64xf32, #tpu.memory_space<vmem>>, vector<1x16xf32>,
        %get3A_167 = vector.shape_cast %get3A_166 : vector<1x16xf32> to vector<16xf32>
        %mul3A_168 = arith.mulf %div3A_158, %get3A_167 : vector<16xf32>
        %swap3A_169 = arith.index_cast %scan3A_123 : i32 to index
        %swap3A_170 = arith.constant 0 : index
        %swap3A_171 = tpu.vector_load %arg22[%swap3A_169, %swap3A_170] {strides = array<i32>} : memref<80x64xf32, #tpu.memory_space<vmem>>, vector<1x16xf32>,
        %swap3A_172 = vector.shape_cast %swap3A_171 : vector<1x16xf32> to vector<16xf32>
        %swap3A_173 = vector.shape_cast %mul3A_168 : vector<16xf32> to vector<1x16xf32>
        tpu.vector_store %arg22[%swap3A_169, %swap3A_170], %swap3A_173 {strides = array<i32>} : memref<80x64xf32, #tpu.memory_space<vmem>>, vector<1x16xf32>,
        %get3A_174 = arith.index_cast %scan3A_123 : i32 to index
        %get3A_175 = arith.constant 16 : index
        %get3A_176 = tpu.vector_load %arg19[%get3A_174, %get3A_175] {strides = array<i32>} : memref<80x64xf32, #tpu.memory_space<vmem>>, vector<1x16xf32>,
        %get3A_177 = vector.shape_cast %get3A_176 : vector<1x16xf32> to vector<16xf32>
        %get3A_178 = arith.index_cast %scan3A_123 : i32 to index
        %get3A_179 = arith.constant 16 : index
        %get3A_180 = tpu.vector_load %arg16[%get3A_178, %get3A_179] {strides = array<i32>} : memref<80x64xf32, #tpu.memory_space<vmem>>, vector<1x16xf32>,
        %get3A_181 = vector.shape_cast %get3A_180 : vector<1x16xf32> to vector<16xf32>
        %add3A_182 = arith.addf %get3A_177, %get3A_181 : vector<16xf32>
        %get3A_183 = arith.index_cast %scan3A_123 : i32 to index
        %get3A_184 = arith.constant 16 : index
        %get3A_185 = tpu.vector_load %arg17[%get3A_183, %get3A_184] {strides = array<i32>} : memref<80x64xf32, #tpu.memory_space<vmem>>, vector<1x16xf32>,
        %get3A_186 = vector.shape_cast %get3A_185 : vector<1x16xf32> to vector<16xf32>
        %add3A_187 = arith.addf %add3A_182, %get3A_186 : vector<16xf32>
        %swap3A_188 = arith.index_cast %scan3A_123 : i32 to index
        %swap3A_189 = arith.constant 16 : index
        %swap3A_190 = tpu.vector_load %arg20[%swap3A_188, %swap3A_189] {strides = array<i32>} : memref<80x64xf32, #tpu.memory_space<vmem>>, vector<1x16xf32>,
        %swap3A_191 = vector.shape_cast %swap3A_190 : vector<1x16xf32> to vector<16xf32>
        %swap3A_192 = vector.shape_cast %add3A_187 : vector<16xf32> to vector<1x16xf32>
        tpu.vector_store %arg20[%swap3A_188, %swap3A_189], %swap3A_192 {strides = array<i32>} : memref<80x64xf32, #tpu.memory_space<vmem>>, vector<1x16xf32>,
        %swap3A_193 = arith.constant 16 : index
        %swap3A_194 = tpu.vector_load %arg23[%swap3A_193] {strides = array<i32>} : memref<128xf32, #tpu.memory_space<vmem>>, vector<16xf32>,
        %swap3A_195 = vector.shape_cast %swap3A_194 : vector<16xf32> to vector<16xf32>
        %swap3A_196 = vector.shape_cast %add3A_187 : vector<16xf32> to vector<16xf32>
        tpu.vector_store %arg23[%swap3A_193], %swap3A_196 {add = true, strides = array<i32>} : memref<128xf32, #tpu.memory_space<vmem>>, vector<16xf32>,
        %mul3A_197 = arith.mulf %add3A_187, %add3A_187 : vector<16xf32>
        %swap3A_198 = arith.constant 80 : index
        %swap3A_199 = tpu.vector_load %arg23[%swap3A_198] {strides = array<i32>} : memref<128xf32, #tpu.memory_space<vmem>>, vector<16xf32>,
        %swap3A_200 = vector.shape_cast %swap3A_199 : vector<16xf32> to vector<16xf32>
        %swap3A_201 = vector.shape_cast %mul3A_197 : vector<16xf32> to vector<16xf32>
        tpu.vector_store %arg23[%swap3A_198], %swap3A_201 {add = true, strides = array<i32>} : memref<128xf32, #tpu.memory_space<vmem>>, vector<16xf32>,
        %neg3A_202 = arith.constant 0.000000e+00 : f32
        %neg3A_203 = vector.broadcast %neg3A_202 : f32 to vector<16xf32>
        %neg3A_204 = arith.subf %neg3A_203, %add3A_187 : vector<16xf32>
        %exp3A_205 = math.exp %neg3A_204 : vector<16xf32>
        %add3A_206 = arith.constant 1.000000e+00 : f32
        %add3A_207 = vector.broadcast %add3A_206 : f32 to vector<16xf32>
        %add3A_208 = arith.addf %add3A_207, %exp3A_205 : vector<16xf32>
        %div3A_209 = arith.constant 1.000000e+00 : f32
        %div3A_210 = vector.broadcast %div3A_209 : f32 to vector<16xf32>
        %div3A_211 = arith.divf %div3A_210, %add3A_208 : vector<16xf32>
        %swap3A_212 = arith.index_cast %scan3A_123 : i32 to index
        %swap3A_213 = arith.constant 16 : index
        %swap3A_214 = tpu.vector_load %arg21[%swap3A_212, %swap3A_213] {strides = array<i32>} : memref<80x64xf32, #tpu.memory_space<vmem>>, vector<1x16xf32>,
        %swap3A_215 = vector.shape_cast %swap3A_214 : vector<1x16xf32> to vector<16xf32>
        %swap3A_216 = vector.shape_cast %div3A_211 : vector<16xf32> to vector<1x16xf32>
        tpu.vector_store %arg21[%swap3A_212, %swap3A_213], %swap3A_216 {strides = array<i32>} : memref<80x64xf32, #tpu.memory_space<vmem>>, vector<1x16xf32>,
        %get3A_217 = arith.index_cast %scan3A_123 : i32 to index
        %get3A_218 = arith.constant 16 : index
        %get3A_219 = tpu.vector_load %arg18[%get3A_217, %get3A_218] {strides = array<i32>} : memref<80x64xf32, #tpu.memory_space<vmem>>, vector<1x16xf32>,
        %get3A_220 = vector.shape_cast %get3A_219 : vector<1x16xf32> to vector<16xf32>
        %mul3A_221 = arith.mulf %div3A_211, %get3A_220 : vector<16xf32>
        %swap3A_222 = arith.index_cast %scan3A_123 : i32 to index
        %swap3A_223 = arith.constant 16 : index
        %swap3A_224 = tpu.vector_load %arg22[%swap3A_222, %swap3A_223] {strides = array<i32>} : memref<80x64xf32, #tpu.memory_space<vmem>>, vector<1x16xf32>,
        %swap3A_225 = vector.shape_cast %swap3A_224 : vector<1x16xf32> to vector<16xf32>
        %swap3A_226 = vector.shape_cast %mul3A_221 : vector<16xf32> to vector<1x16xf32>
        tpu.vector_store %arg22[%swap3A_222, %swap3A_223], %swap3A_226 {strides = array<i32>} : memref<80x64xf32, #tpu.memory_space<vmem>>, vector<1x16xf32>,
        %get3A_227 = arith.index_cast %scan3A_123 : i32 to index
        %get3A_228 = arith.constant 32 : index
        %get3A_229 = tpu.vector_load %arg19[%get3A_227, %get3A_228] {strides = array<i32>} : memref<80x64xf32, #tpu.memory_space<vmem>>, vector<1x16xf32>,
        %get3A_230 = vector.shape_cast %get3A_229 : vector<1x16xf32> to vector<16xf32>
        %get3A_231 = arith.index_cast %scan3A_123 : i32 to index
        %get3A_232 = arith.constant 32 : index
        %get3A_233 = tpu.vector_load %arg16[%get3A_231, %get3A_232] {strides = array<i32>} : memref<80x64xf32, #tpu.memory_space<vmem>>, vector<1x16xf32>,
        %get3A_234 = vector.shape_cast %get3A_233 : vector<1x16xf32> to vector<16xf32>
        %add3A_235 = arith.addf %get3A_230, %get3A_234 : vector<16xf32>
        %get3A_236 = arith.index_cast %scan3A_123 : i32 to index
        %get3A_237 = arith.constant 32 : index
        %get3A_238 = tpu.vector_load %arg17[%get3A_236, %get3A_237] {strides = array<i32>} : memref<80x64xf32, #tpu.memory_space<vmem>>, vector<1x16xf32>,
        %get3A_239 = vector.shape_cast %get3A_238 : vector<1x16xf32> to vector<16xf32>
        %add3A_240 = arith.addf %add3A_235, %get3A_239 : vector<16xf32>
        %swap3A_241 = arith.index_cast %scan3A_123 : i32 to index
        %swap3A_242 = arith.constant 32 : index
        %swap3A_243 = tpu.vector_load %arg20[%swap3A_241, %swap3A_242] {strides = array<i32>} : memref<80x64xf32, #tpu.memory_space<vmem>>, vector<1x16xf32>,
        %swap3A_244 = vector.shape_cast %swap3A_243 : vector<1x16xf32> to vector<16xf32>
        %swap3A_245 = vector.shape_cast %add3A_240 : vector<16xf32> to vector<1x16xf32>
        tpu.vector_store %arg20[%swap3A_241, %swap3A_242], %swap3A_245 {strides = array<i32>} : memref<80x64xf32, #tpu.memory_space<vmem>>, vector<1x16xf32>,
        %swap3A_246 = arith.constant 32 : index
        %swap3A_247 = tpu.vector_load %arg23[%swap3A_246] {strides = array<i32>} : memref<128xf32, #tpu.memory_space<vmem>>, vector<16xf32>,
        %swap3A_248 = vector.shape_cast %swap3A_247 : vector<16xf32> to vector<16xf32>
        %swap3A_249 = vector.shape_cast %add3A_240 : vector<16xf32> to vector<16xf32>
        tpu.vector_store %arg23[%swap3A_246], %swap3A_249 {add = true, strides = array<i32>} : memref<128xf32, #tpu.memory_space<vmem>>, vector<16xf32>,
        %mul3A_250 = arith.mulf %add3A_240, %add3A_240 : vector<16xf32>
        %swap3A_251 = arith.constant 96 : index
        %swap3A_252 = tpu.vector_load %arg23[%swap3A_251] {strides = array<i32>} : memref<128xf32, #tpu.memory_space<vmem>>, vector<16xf32>,
        %swap3A_253 = vector.shape_cast %swap3A_252 : vector<16xf32> to vector<16xf32>
        %swap3A_254 = vector.shape_cast %mul3A_250 : vector<16xf32> to vector<16xf32>
        tpu.vector_store %arg23[%swap3A_251], %swap3A_254 {add = true, strides = array<i32>} : memref<128xf32, #tpu.memory_space<vmem>>, vector<16xf32>,
        %neg3A_255 = arith.constant 0.000000e+00 : f32
        %neg3A_256 = vector.broadcast %neg3A_255 : f32 to vector<16xf32>
        %neg3A_257 = arith.subf %neg3A_256, %add3A_240 : vector<16xf32>
        %exp3A_258 = math.exp %neg3A_257 : vector<16xf32>
        %add3A_259 = arith.constant 1.000000e+00 : f32
        %add3A_260 = vector.broadcast %add3A_259 : f32 to vector<16xf32>
        %add3A_261 = arith.addf %add3A_260, %exp3A_258 : vector<16xf32>
        %div3A_262 = arith.constant 1.000000e+00 : f32
        %div3A_263 = vector.broadcast %div3A_262 : f32 to vector<16xf32>
        %div3A_264 = arith.divf %div3A_263, %add3A_261 : vector<16xf32>
        %swap3A_265 = arith.index_cast %scan3A_123 : i32 to index
        %swap3A_266 = arith.constant 32 : index
        %swap3A_267 = tpu.vector_load %arg21[%swap3A_265, %swap3A_266] {strides = array<i32>} : memref<80x64xf32, #tpu.memory_space<vmem>>, vector<1x16xf32>,
        %swap3A_268 = vector.shape_cast %swap3A_267 : vector<1x16xf32> to vector<16xf32>
        %swap3A_269 = vector.shape_cast %div3A_264 : vector<16xf32> to vector<1x16xf32>
        tpu.vector_store %arg21[%swap3A_265, %swap3A_266], %swap3A_269 {strides = array<i32>} : memref<80x64xf32, #tpu.memory_space<vmem>>, vector<1x16xf32>,
        %get3A_270 = arith.index_cast %scan3A_123 : i32 to index
        %get3A_271 = arith.constant 32 : index
        %get3A_272 = tpu.vector_load %arg18[%get3A_270, %get3A_271] {strides = array<i32>} : memref<80x64xf32, #tpu.memory_space<vmem>>, vector<1x16xf32>,
        %get3A_273 = vector.shape_cast %get3A_272 : vector<1x16xf32> to vector<16xf32>
        %mul3A_274 = arith.mulf %div3A_264, %get3A_273 : vector<16xf32>
        %swap3A_275 = arith.index_cast %scan3A_123 : i32 to index
        %swap3A_276 = arith.constant 32 : index
        %swap3A_277 = tpu.vector_load %arg22[%swap3A_275, %swap3A_276] {strides = array<i32>} : memref<80x64xf32, #tpu.memory_space<vmem>>, vector<1x16xf32>,
        %swap3A_278 = vector.shape_cast %swap3A_277 : vector<1x16xf32> to vector<16xf32>
        %swap3A_279 = vector.shape_cast %mul3A_274 : vector<16xf32> to vector<1x16xf32>
        tpu.vector_store %arg22[%swap3A_275, %swap3A_276], %swap3A_279 {strides = array<i32>} : memref<80x64xf32, #tpu.memory_space<vmem>>, vector<1x16xf32>,
        %get3A_280 = arith.index_cast %scan3A_123 : i32 to index
        %get3A_281 = arith.constant 48 : index
        %get3A_282 = tpu.vector_load %arg19[%get3A_280, %get3A_281] {strides = array<i32>} : memref<80x64xf32, #tpu.memory_space<vmem>>, vector<1x16xf32>,
        %get3A_283 = vector.shape_cast %get3A_282 : vector<1x16xf32> to vector<16xf32>
        %get3A_284 = arith.index_cast %scan3A_123 : i32 to index
        %get3A_285 = arith.constant 48 : index
        %get3A_286 = tpu.vector_load %arg16[%get3A_284, %get3A_285] {strides = array<i32>} : memref<80x64xf32, #tpu.memory_space<vmem>>, vector<1x16xf32>,
        %get3A_287 = vector.shape_cast %get3A_286 : vector<1x16xf32> to vector<16xf32>
        %add3A_288 = arith.addf %get3A_283, %get3A_287 : vector<16xf32>
        %get3A_289 = arith.index_cast %scan3A_123 : i32 to index
        %get3A_290 = arith.constant 48 : index
        %get3A_291 = tpu.vector_load %arg17[%get3A_289, %get3A_290] {strides = array<i32>} : memref<80x64xf32, #tpu.memory_space<vmem>>, vector<1x16xf32>,
        %get3A_292 = vector.shape_cast %get3A_291 : vector<1x16xf32> to vector<16xf32>
        %add3A_293 = arith.addf %add3A_288, %get3A_292 : vector<16xf32>
        %swap3A_294 = arith.index_cast %scan3A_123 : i32 to index
        %swap3A_295 = arith.constant 48 : index
        %swap3A_296 = tpu.vector_load %arg20[%swap3A_294, %swap3A_295] {strides = array<i32>} : memref<80x64xf32, #tpu.memory_space<vmem>>, vector<1x16xf32>,
        %swap3A_297 = vector.shape_cast %swap3A_296 : vector<1x16xf32> to vector<16xf32>
        %swap3A_298 = vector.shape_cast %add3A_293 : vector<16xf32> to vector<1x16xf32>
        tpu.vector_store %arg20[%swap3A_294, %swap3A_295], %swap3A_298 {strides = array<i32>} : memref<80x64xf32, #tpu.memory_space<vmem>>, vector<1x16xf32>,
        %swap3A_299 = arith.constant 48 : index
        %swap3A_300 = tpu.vector_load %arg23[%swap3A_299] {strides = array<i32>} : memref<128xf32, #tpu.memory_space<vmem>>, vector<16xf32>,
        %swap3A_301 = vector.shape_cast %swap3A_300 : vector<16xf32> to vector<16xf32>
        %swap3A_302 = vector.shape_cast %add3A_293 : vector<16xf32> to vector<16xf32>
        tpu.vector_store %arg23[%swap3A_299], %swap3A_302 {add = true, strides = array<i32>} : memref<128xf32, #tpu.memory_space<vmem>>, vector<16xf32>,
        %mul3A_303 = arith.mulf %add3A_293, %add3A_293 : vector<16xf32>
        %swap3A_304 = arith.constant 112 : index
        %swap3A_305 = tpu.vector_load %arg23[%swap3A_304] {strides = array<i32>} : memref<128xf32, #tpu.memory_space<vmem>>, vector<16xf32>,
        %swap3A_306 = vector.shape_cast %swap3A_305 : vector<16xf32> to vector<16xf32>
        %swap3A_307 = vector.shape_cast %mul3A_303 : vector<16xf32> to vector<16xf32>
        tpu.vector_store %arg23[%swap3A_304], %swap3A_307 {add = true, strides = array<i32>} : memref<128xf32, #tpu.memory_space<vmem>>, vector<16xf32>,
        %neg3A_308 = arith.constant 0.000000e+00 : f32
        %neg3A_309 = vector.broadcast %neg3A_308 : f32 to vector<16xf32>
        %neg3A_310 = arith.subf %neg3A_309, %add3A_293 : vector<16xf32>
        %exp3A_311 = math.exp %neg3A_310 : vector<16xf32>
        %add3A_312 = arith.constant 1.000000e+00 : f32
        %add3A_313 = vector.broadcast %add3A_312 : f32 to vector<16xf32>
        %add3A_314 = arith.addf %add3A_313, %exp3A_311 : vector<16xf32>
        %div3A_315 = arith.constant 1.000000e+00 : f32
        %div3A_316 = vector.broadcast %div3A_315 : f32 to vector<16xf32>
        %div3A_317 = arith.divf %div3A_316, %add3A_314 : vector<16xf32>
        %swap3A_318 = arith.index_cast %scan3A_123 : i32 to index
        %swap3A_319 = arith.constant 48 : index
        %swap3A_320 = tpu.vector_load %arg21[%swap3A_318, %swap3A_319] {strides = array<i32>} : memref<80x64xf32, #tpu.memory_space<vmem>>, vector<1x16xf32>,
        %swap3A_321 = vector.shape_cast %swap3A_320 : vector<1x16xf32> to vector<16xf32>
        %swap3A_322 = vector.shape_cast %div3A_317 : vector<16xf32> to vector<1x16xf32>
        tpu.vector_store %arg21[%swap3A_318, %swap3A_319], %swap3A_322 {strides = array<i32>} : memref<80x64xf32, #tpu.memory_space<vmem>>, vector<1x16xf32>,
        %get3A_323 = arith.index_cast %scan3A_123 : i32 to index
        %get3A_324 = arith.constant 48 : index
        %get3A_325 = tpu.vector_load %arg18[%get3A_323, %get3A_324] {strides = array<i32>} : memref<80x64xf32, #tpu.memory_space<vmem>>, vector<1x16xf32>,
        %get3A_326 = vector.shape_cast %get3A_325 : vector<1x16xf32> to vector<16xf32>
        %mul3A_327 = arith.mulf %div3A_317, %get3A_326 : vector<16xf32>
        %swap3A_328 = arith.index_cast %scan3A_123 : i32 to index
        %swap3A_329 = arith.constant 48 : index
        %swap3A_330 = tpu.vector_load %arg22[%swap3A_328, %swap3A_329] {strides = array<i32>} : memref<80x64xf32, #tpu.memory_space<vmem>>, vector<1x16xf32>,
        %swap3A_331 = vector.shape_cast %swap3A_330 : vector<1x16xf32> to vector<16xf32>
        %swap3A_332 = vector.shape_cast %mul3A_327 : vector<16xf32> to vector<1x16xf32>
        tpu.vector_store %arg22[%swap3A_328, %swap3A_329], %swap3A_332 {strides = array<i32>} : memref<80x64xf32, #tpu.memory_space<vmem>>, vector<1x16xf32>,
      }
      %scan3A_120 = arith.constant 80 : i32
      %mul3A_121 = arith.constant 64 : i32
      %mul3A_122 = arith.muli %arg0, %mul3A_121 : i32
      "tpu.region"() ({
        %run_scoped3A = tpu.sem_alloc : memref<!tpu.dma_semaphore, #tpu.memory_space<semaphore_mem>>
        %dma_start3A_123 = tpu.memref_slice %arg8[%add3A, %mul3A_122] : memref<320000x128xf32, #tpu.memory_space<hbm>> -> memref<80x64xf32, #tpu.memory_space<hbm>>
        %dma_start3A_124 = tpu.memref_slice %arg8[%add3A, %mul3A_122] : memref<320000x128xf32, #tpu.memory_space<hbm>> -> memref<80x64xf32, #tpu.memory_space<hbm>>
        tpu.enqueue_dma source(%arg20 : memref<80x64xf32, #tpu.memory_space<vmem>>) target(%dma_start3A_124 : memref<80x64xf32, #tpu.memory_space<hbm>>) target_semaphore(%run_scoped3A : memref<!tpu.dma_semaphore, #tpu.memory_space<semaphore_mem>>)
        %dma_wait3A_125 = tpu.memref_slice %arg8[%add3A, %mul3A_122] : memref<320000x128xf32, #tpu.memory_space<hbm>> -> memref<80x64xf32, #tpu.memory_space<hbm>>
        %dma_wait3A_126 = tpu.memref_slice %arg8[%add3A, %mul3A_122] : memref<320000x128xf32, #tpu.memory_space<hbm>> -> memref<80x64xf32, #tpu.memory_space<hbm>>
        tpu.wait_dma2 semaphore(%run_scoped3A : memref<!tpu.dma_semaphore, #tpu.memory_space<semaphore_mem>>) src(%arg20 : memref<80x64xf32, #tpu.memory_space<vmem>>) dst(%dma_wait3A_126 : memref<80x64xf32, #tpu.memory_space<hbm>>)
        tpu.yield
      }) : () -> ()
      "tpu.region"() ({
        %run_scoped3A = tpu.sem_alloc : memref<!tpu.dma_semaphore, #tpu.memory_space<semaphore_mem>>
        %dma_start3A_123 = arith.constant 0 : i32
        %dma_start3A_124 = arith.constant 0 : i32
        %dma_start3A_125 = tpu.memref_slice %arg26[%dma_start3A_123, %dma_start3A_124] : memref<10000x64xf32, #tpu.memory_space<vmem_shared>> -> memref<10000x64xf32, #tpu.memory_space<vmem_shared>>
        tpu.enqueue_indirect_dma source(%arg21 : memref<80x64xf32, #tpu.memory_space<vmem>>) target(%dma_start3A_125 : memref<10000x64xf32, #tpu.memory_space<vmem_shared>>) offsets(%arg13 : memref<80xi32, #tpu.memory_space<vmem>>) semaphore(%run_scoped3A : memref<!tpu.dma_semaphore, #tpu.memory_space<semaphore_mem>>) {add = true}
        %dma_wait3A_126 = arith.constant 0 : i32
        %dma_wait3A_127 = arith.constant 0 : i32
        %dma_wait3A_128 = tpu.memref_slice %arg26[%dma_wait3A_126, %dma_wait3A_127] : memref<10000x64xf32, #tpu.memory_space<vmem_shared>> -> memref<10000x64xf32, #tpu.memory_space<vmem_shared>>
        tpu.wait_indirect_dma semaphore(%run_scoped3A : memref<!tpu.dma_semaphore, #tpu.memory_space<semaphore_mem>>) src(%arg21 : memref<80x64xf32, #tpu.memory_space<vmem>>) dst(%dma_wait3A_128 : memref<10000x64xf32, #tpu.memory_space<vmem_shared>>)
        tpu.yield
      }) : () -> ()
      "tpu.region"() ({
        %run_scoped3A = tpu.sem_alloc : memref<!tpu.dma_semaphore, #tpu.memory_space<semaphore_mem>>
        %dma_start3A_123 = arith.constant 0 : i32
        %dma_start3A_124 = arith.constant 0 : i32
        %dma_start3A_125 = tpu.memref_slice %arg25[%dma_start3A_123, %dma_start3A_124] : memref<10000x64xf32, #tpu.memory_space<vmem_shared>> -> memref<10000x64xf32, #tpu.memory_space<vmem_shared>>
        tpu.enqueue_indirect_dma source(%arg22 : memref<80x64xf32, #tpu.memory_space<vmem>>) target(%dma_start3A_125 : memref<10000x64xf32, #tpu.memory_space<vmem_shared>>) offsets(%arg13 : memref<80xi32, #tpu.memory_space<vmem>>) semaphore(%run_scoped3A : memref<!tpu.dma_semaphore, #tpu.memory_space<semaphore_mem>>) {add = true}
        %dma_wait3A_126 = arith.constant 0 : i32
        %dma_wait3A_127 = arith.constant 0 : i32
        %dma_wait3A_128 = tpu.memref_slice %arg25[%dma_wait3A_126, %dma_wait3A_127] : memref<10000x64xf32, #tpu.memory_space<vmem_shared>> -> memref<10000x64xf32, #tpu.memory_space<vmem_shared>>
        tpu.wait_indirect_dma semaphore(%run_scoped3A : memref<!tpu.dma_semaphore, #tpu.memory_space<semaphore_mem>>) src(%arg22 : memref<80x64xf32, #tpu.memory_space<vmem>>) dst(%dma_wait3A_128 : memref<10000x64xf32, #tpu.memory_space<vmem_shared>>)
        tpu.yield
      }) : () -> ()
    }
    %scan3A_74 = arith.constant 250 : i32
    %barrier3A_75 = arith.constant 0 : index
    tpu.barrier barrier_id(%barrier3A_75)
    %mul3A_76 = arith.constant 10000 : i32
    %mul3A_77 = arith.muli %arg0, %mul3A_76 : i32
    %while3A_78 = arith.constant 0 : i32
    %while3A_79 = arith.constant 0 : i32
    %while3A_80 = arith.subi %select_n3A, %while3A_79 : i32
    %while3A_81 = arith.addi %while3A_79, %while3A_80 : i32
    %while3A_82 = arith.constant 1 : i32
    %while3A_83 = arith.divsi %while3A_80, %while3A_82 : i32
    %while3A_84 = arith.muli %while3A_83, %while3A_82 : i32
    %while3A_85 = arith.addi %while3A_79, %while3A_84 : i32
    %while3A_86 = arith.constant 1 : i32
    scf.for %while3A_88 = %while3A_79 to %while3A_85 step %while3A_86  : i32 {
      %mul3A_89 = arith.constant 80 : i32
      %mul3A_90 = arith.muli %while3A_88, %mul3A_89 : i32
      %add3A = arith.addi %mul3A_37, %mul3A_90 : i32
      %add3A_91 = arith.addi %mul3A_77, %add3A : i32
      "tpu.region"() ({
        %run_scoped3A = tpu.sem_alloc : memref<!tpu.dma_semaphore, #tpu.memory_space<semaphore_mem>>
        %dma_start3A = arith.constant 0 : i32
        %dma_start3A_93 = tpu.memref_slice %arg9[%add3A_91, %dma_start3A] : memref<20000x64xf32, #tpu.memory_space<hbm>> -> memref<80x64xf32, #tpu.memory_space<hbm>>
        %dma_start3A_94 = arith.constant 0 : i32
        %dma_start3A_95 = tpu.memref_slice %arg25[%add3A, %dma_start3A_94] : memref<10000x64xf32, #tpu.memory_space<vmem_shared>> -> memref<80x64xf32, #tpu.memory_space<vmem_shared>>
        tpu.enqueue_dma source(%dma_start3A_95 : memref<80x64xf32, #tpu.memory_space<vmem_shared>>) target(%dma_start3A_93 : memref<80x64xf32, #tpu.memory_space<hbm>>) target_semaphore(%run_scoped3A : memref<!tpu.dma_semaphore, #tpu.memory_space<semaphore_mem>>)
        %dma_wait3A = arith.constant 0 : i32
        %dma_wait3A_96 = tpu.memref_slice %arg9[%add3A_91, %dma_wait3A] : memref<20000x64xf32, #tpu.memory_space<hbm>> -> memref<80x64xf32, #tpu.memory_space<hbm>>
        %dma_wait3A_97 = arith.constant 0 : i32
        %dma_wait3A_98 = tpu.memref_slice %arg25[%add3A, %dma_wait3A_97] : memref<10000x64xf32, #tpu.memory_space<vmem_shared>> -> memref<80x64xf32, #tpu.memory_space<vmem_shared>>
        tpu.wait_dma2 semaphore(%run_scoped3A : memref<!tpu.dma_semaphore, #tpu.memory_space<semaphore_mem>>) src(%dma_wait3A_98 : memref<80x64xf32, #tpu.memory_space<vmem_shared>>) dst(%dma_wait3A_96 : memref<80x64xf32, #tpu.memory_space<hbm>>)
        tpu.yield
      }) : () -> ()
      %add3A_92 = arith.addi %mul3A_77, %add3A : i32
      "tpu.region"() ({
        %run_scoped3A = tpu.sem_alloc : memref<!tpu.dma_semaphore, #tpu.memory_space<semaphore_mem>>
        %dma_start3A = arith.constant 0 : i32
        %dma_start3A_93 = tpu.memref_slice %arg10[%add3A_92, %dma_start3A] : memref<20000x64xf32, #tpu.memory_space<hbm>> -> memref<80x64xf32, #tpu.memory_space<hbm>>
        %dma_start3A_94 = arith.constant 0 : i32
        %dma_start3A_95 = tpu.memref_slice %arg26[%add3A, %dma_start3A_94] : memref<10000x64xf32, #tpu.memory_space<vmem_shared>> -> memref<80x64xf32, #tpu.memory_space<vmem_shared>>
        tpu.enqueue_dma source(%dma_start3A_95 : memref<80x64xf32, #tpu.memory_space<vmem_shared>>) target(%dma_start3A_93 : memref<80x64xf32, #tpu.memory_space<hbm>>) target_semaphore(%run_scoped3A : memref<!tpu.dma_semaphore, #tpu.memory_space<semaphore_mem>>)
        %dma_wait3A = arith.constant 0 : i32
        %dma_wait3A_96 = tpu.memref_slice %arg10[%add3A_92, %dma_wait3A] : memref<20000x64xf32, #tpu.memory_space<hbm>> -> memref<80x64xf32, #tpu.memory_space<hbm>>
        %dma_wait3A_97 = arith.constant 0 : i32
        %dma_wait3A_98 = tpu.memref_slice %arg26[%add3A, %dma_wait3A_97] : memref<10000x64xf32, #tpu.memory_space<vmem_shared>> -> memref<80x64xf32, #tpu.memory_space<vmem_shared>>
        tpu.wait_dma2 semaphore(%run_scoped3A : memref<!tpu.dma_semaphore, #tpu.memory_space<semaphore_mem>>) src(%dma_wait3A_98 : memref<80x64xf32, #tpu.memory_space<vmem_shared>>) dst(%dma_wait3A_96 : memref<80x64xf32, #tpu.memory_space<hbm>>)
        tpu.yield
      }) : () -> ()
    }
    %while3A_87 = arith.constant 1 : i32
    scf.for %while3A_88 = %while3A_85 to %while3A_81 step %while3A_87  : i32 {
      %mul3A_89 = arith.constant 80 : i32
      %mul3A_90 = arith.muli %while3A_88, %mul3A_89 : i32
      %add3A = arith.addi %mul3A_37, %mul3A_90 : i32
      %add3A_91 = arith.addi %mul3A_77, %add3A : i32
      "tpu.region"() ({
        %run_scoped3A = tpu.sem_alloc : memref<!tpu.dma_semaphore, #tpu.memory_space<semaphore_mem>>
        %dma_start3A = arith.constant 0 : i32
        %dma_start3A_93 = tpu.memref_slice %arg9[%add3A_91, %dma_start3A] : memref<20000x64xf32, #tpu.memory_space<hbm>> -> memref<80x64xf32, #tpu.memory_space<hbm>>
        %dma_start3A_94 = arith.constant 0 : i32
        %dma_start3A_95 = tpu.memref_slice %arg25[%add3A, %dma_start3A_94] : memref<10000x64xf32, #tpu.memory_space<vmem_shared>> -> memref<80x64xf32, #tpu.memory_space<vmem_shared>>
        tpu.enqueue_dma source(%dma_start3A_95 : memref<80x64xf32, #tpu.memory_space<vmem_shared>>) target(%dma_start3A_93 : memref<80x64xf32, #tpu.memory_space<hbm>>) target_semaphore(%run_scoped3A : memref<!tpu.dma_semaphore, #tpu.memory_space<semaphore_mem>>)
        %dma_wait3A = arith.constant 0 : i32
        %dma_wait3A_96 = tpu.memref_slice %arg9[%add3A_91, %dma_wait3A] : memref<20000x64xf32, #tpu.memory_space<hbm>> -> memref<80x64xf32, #tpu.memory_space<hbm>>
        %dma_wait3A_97 = arith.constant 0 : i32
        %dma_wait3A_98 = tpu.memref_slice %arg25[%add3A, %dma_wait3A_97] : memref<10000x64xf32, #tpu.memory_space<vmem_shared>> -> memref<80x64xf32, #tpu.memory_space<vmem_shared>>
        tpu.wait_dma2 semaphore(%run_scoped3A : memref<!tpu.dma_semaphore, #tpu.memory_space<semaphore_mem>>) src(%dma_wait3A_98 : memref<80x64xf32, #tpu.memory_space<vmem_shared>>) dst(%dma_wait3A_96 : memref<80x64xf32, #tpu.memory_space<hbm>>)
        tpu.yield
      }) : () -> ()
      %add3A_92 = arith.addi %mul3A_77, %add3A : i32
      "tpu.region"() ({
        %run_scoped3A = tpu.sem_alloc : memref<!tpu.dma_semaphore, #tpu.memory_space<semaphore_mem>>
        %dma_start3A = arith.constant 0 : i32
        %dma_start3A_93 = tpu.memref_slice %arg10[%add3A_92, %dma_start3A] : memref<20000x64xf32, #tpu.memory_space<hbm>> -> memref<80x64xf32, #tpu.memory_space<hbm>>
        %dma_start3A_94 = arith.constant 0 : i32
        %dma_start3A_95 = tpu.memref_slice %arg26[%add3A, %dma_start3A_94] : memref<10000x64xf32, #tpu.memory_space<vmem_shared>> -> memref<80x64xf32, #tpu.memory_space<vmem_shared>>
        tpu.enqueue_dma source(%dma_start3A_95 : memref<80x64xf32, #tpu.memory_space<vmem_shared>>) target(%dma_start3A_93 : memref<80x64xf32, #tpu.memory_space<hbm>>) target_semaphore(%run_scoped3A : memref<!tpu.dma_semaphore, #tpu.memory_space<semaphore_mem>>)
        %dma_wait3A = arith.constant 0 : i32
        %dma_wait3A_96 = tpu.memref_slice %arg10[%add3A_92, %dma_wait3A] : memref<20000x64xf32, #tpu.memory_space<hbm>> -> memref<80x64xf32, #tpu.memory_space<hbm>>
        %dma_wait3A_97 = arith.constant 0 : i32
        %dma_wait3A_98 = tpu.memref_slice %arg26[%add3A, %dma_wait3A_97] : memref<10000x64xf32, #tpu.memory_space<vmem_shared>> -> memref<80x64xf32, #tpu.memory_space<vmem_shared>>
        tpu.wait_dma2 semaphore(%run_scoped3A : memref<!tpu.dma_semaphore, #tpu.memory_space<semaphore_mem>>) src(%dma_wait3A_98 : memref<80x64xf32, #tpu.memory_space<vmem_shared>>) dst(%dma_wait3A_96 : memref<80x64xf32, #tpu.memory_space<hbm>>)
        tpu.yield
      }) : () -> ()
    }
    "tpu.region"() ({
      %run_scoped3A = tpu.sem_alloc : memref<!tpu.dma_semaphore, #tpu.memory_space<semaphore_mem>>
      %dma_start3A = arith.constant 0 : i32
      %dma_start3A_88 = tpu.memref_slice %arg11[%arg0, %arg1, %dma_start3A] : memref<2x16x128xf32, #tpu.memory_space<hbm>> -> memref<1x1x128xf32, #tpu.memory_space<hbm>>
      %dma_start3A_89 = tpu.memref_squeeze %dma_start3A_88 : memref<1x1x128xf32, #tpu.memory_space<hbm>> -> memref<128xf32, #tpu.memory_space<hbm>>
      %dma_start3A_90 = arith.constant 0 : i32
      %dma_start3A_91 = tpu.memref_slice %arg11[%arg0, %arg1, %dma_start3A_90] : memref<2x16x128xf32, #tpu.memory_space<hbm>> -> memref<1x1x128xf32, #tpu.memory_space<hbm>>
      %dma_start3A_92 = tpu.memref_squeeze %dma_start3A_91 : memref<1x1x128xf32, #tpu.memory_space<hbm>> -> memref<128xf32, #tpu.memory_space<hbm>>
      tpu.enqueue_dma source(%arg23 : memref<128xf32, #tpu.memory_space<vmem>>) target(%dma_start3A_92 : memref<128xf32, #tpu.memory_space<hbm>>) target_semaphore(%run_scoped3A : memref<!tpu.dma_semaphore, #tpu.memory_space<semaphore_mem>>)
      %dma_wait3A = arith.constant 0 : i32
      %dma_wait3A_93 = tpu.memref_slice %arg11[%arg0, %arg1, %dma_wait3A] : memref<2x16x128xf32, #tpu.memory_space<hbm>> -> memref<1x1x128xf32, #tpu.memory_space<hbm>>
      %dma_wait3A_94 = tpu.memref_squeeze %dma_wait3A_93 : memref<1x1x128xf32, #tpu.memory_space<hbm>> -> memref<128xf32, #tpu.memory_space<hbm>>
      %dma_wait3A_95 = arith.constant 0 : i32
      %dma_wait3A_96 = tpu.memref_slice %arg11[%arg0, %arg1, %dma_wait3A_95] : memref<2x16x128xf32, #tpu.memory_space<hbm>> -> memref<1x1x128xf32, #tpu.memory_space<hbm>>
      %dma_wait3A_97 = tpu.memref_squeeze %dma_wait3A_96 : memref<1x1x128xf32, #tpu.memory_space<hbm>> -> memref<128xf32, #tpu.memory_space<hbm>>
      tpu.wait_dma2 semaphore(%run_scoped3A : memref<!tpu.dma_semaphore, #tpu.memory_space<semaphore_mem>>) src(%arg23 : memref<128xf32, #tpu.memory_space<vmem>>) dst(%dma_wait3A_97 : memref<128xf32, #tpu.memory_space<hbm>>)
      tpu.yield
    }) : () -> ()
    return
  }
}

module attributes {stable_mosaic.version = 14 : i64} {
  func.func @_proj_e_body(%arg0: i32, %arg1: memref<2000x128xf32, #tpu.memory_space<vmem>>, %arg2: memref<128x128xf32, #tpu.memory_space<vmem>>, %arg3: memref<1x128xf32, #tpu.memory_space<vmem>>, %arg4: memref<2000x128xf32, #tpu.memory_space<vmem>>) attributes {dimension_semantics = [#tpu.dimension_semantics<arbitrary>], iteration_bounds = array<i64: 160>, scalar_prefetch = 0 : i64, scratch_operands = 0 : i64, tpu.core_type = #tpu.core_type<tc>, window_params = [{transform_indices = @transform_0, window_bounds = array<i64: 2000, 128>}, {pipeline_mode = #tpu.pipeline_mode<synchronous>, transform_indices = @transform_1, window_bounds = array<i64: 128, 128>}, {pipeline_mode = #tpu.pipeline_mode<synchronous>, transform_indices = @transform_2, window_bounds = array<i64: 1, 128>}, {transform_indices = @transform_3, window_bounds = array<i64: 2000, 128>}]} {
    %get3A = arith.constant 0 : index
    %get3A_0 = arith.constant 0 : index
    %get3A_1 = vector.load %arg1[%get3A, %get3A_0] : memref<2000x128xf32, #tpu.memory_space<vmem>>, vector<2000x128xf32>
    %get3A_2 = arith.constant 0 : index
    %get3A_3 = arith.constant 0 : index
    %get3A_4 = vector.load %arg2[%get3A_2, %get3A_3] : memref<128x128xf32, #tpu.memory_space<vmem>>, vector<128x128xf32>
    %dot_general3A = arith.constant dense<0.000000e+00> : vector<2000x128xf32>
    %dot_general3A_5 = tpu.matmul %get3A_1, %get3A_4, %dot_general3A {dimension_numbers = #tpu.dot_dimension_numbers<[1], [0], [0], [1], [0, 0, 1, 1], [], []>, transpose_lhs_hint = false} : vector<2000x128xf32>, vector<128x128xf32>, vector<2000x128xf32> -> vector<2000x128xf32>
    %get3A_6 = arith.constant 0 : index
    %get3A_7 = arith.constant 0 : index
    %get3A_8 = vector.load %arg3[%get3A_6, %get3A_7] : memref<1x128xf32, #tpu.memory_space<vmem>>, vector<1x128xf32>
    %add3A = vector.broadcast %get3A_8 : vector<1x128xf32> to vector<2000x128xf32>
    %add3A_9 = arith.addf %dot_general3A_5, %add3A : vector<2000x128xf32>
    %swap3A = arith.constant 0 : index
    %swap3A_10 = arith.constant 0 : index
    %swap3A_11 = vector.load %arg4[%swap3A, %swap3A_10] : memref<2000x128xf32, #tpu.memory_space<vmem>>, vector<2000x128xf32>
    tpu.vector_store %arg4[%swap3A, %swap3A_10], %add3A_9 {strides = array<i32>} : memref<2000x128xf32, #tpu.memory_space<vmem>>, vector<2000x128xf32>,
    return
  }
  func.func @transform_0(%arg0: i32) -> (i32, i32) {
    %c0_i32 = arith.constant 0 : i32
    %c0_i32_0 = arith.constant 0 : i32
    return %arg0, %c0_i32 : i32, i32
  }
  func.func @transform_1(%arg0: i32) -> (i32, i32) {
    %c0_i32 = arith.constant 0 : i32
    %c0_i32_0 = arith.constant 0 : i32
    %c0_i32_1 = arith.constant 0 : i32
    return %c0_i32, %c0_i32_0 : i32, i32
  }
  func.func @transform_2(%arg0: i32) -> (i32, i32) {
    %c0_i32 = arith.constant 0 : i32
    %c0_i32_0 = arith.constant 0 : i32
    %c0_i32_1 = arith.constant 0 : i32
    return %c0_i32, %c0_i32_0 : i32, i32
  }
  func.func @transform_3(%arg0: i32) -> (i32, i32) {
    %c0_i32 = arith.constant 0 : i32
    %c0_i32_0 = arith.constant 0 : i32
    return %arg0, %c0_i32 : i32, i32
  }
}

module attributes {stable_mosaic.version = 14 : i64} {
  func.func @_proj_h_body(%arg0: i32, %arg1: memref<2000x128xf32, #tpu.memory_space<vmem>>, %arg2: memref<128x128xf32, #tpu.memory_space<vmem>>, %arg3: memref<128x128xf32, #tpu.memory_space<vmem>>, %arg4: memref<128x128xf32, #tpu.memory_space<vmem>>, %arg5: memref<1x128xf32, #tpu.memory_space<vmem>>, %arg6: memref<1x128xf32, #tpu.memory_space<vmem>>, %arg7: memref<1x128xf32, #tpu.memory_space<vmem>>, %arg8: memref<2000x128xf32, #tpu.memory_space<vmem>>, %arg9: memref<2000x128xf32, #tpu.memory_space<vmem>>, %arg10: memref<2000x128xf32, #tpu.memory_space<vmem>>) attributes {dimension_semantics = [#tpu.dimension_semantics<arbitrary>], iteration_bounds = array<i64: 5>, scalar_prefetch = 0 : i64, scratch_operands = 0 : i64, tpu.core_type = #tpu.core_type<tc>, window_params = [{transform_indices = @transform_0, window_bounds = array<i64: 2000, 128>}, {pipeline_mode = #tpu.pipeline_mode<synchronous>, transform_indices = @transform_1, window_bounds = array<i64: 128, 128>}, {pipeline_mode = #tpu.pipeline_mode<synchronous>, transform_indices = @transform_2, window_bounds = array<i64: 128, 128>}, {pipeline_mode = #tpu.pipeline_mode<synchronous>, transform_indices = @transform_3, window_bounds = array<i64: 128, 128>}, {pipeline_mode = #tpu.pipeline_mode<synchronous>, transform_indices = @transform_4, window_bounds = array<i64: 1, 128>}, {pipeline_mode = #tpu.pipeline_mode<synchronous>, transform_indices = @transform_5, window_bounds = array<i64: 1, 128>}, {pipeline_mode = #tpu.pipeline_mode<synchronous>, transform_indices = @transform_6, window_bounds = array<i64: 1, 128>}, {transform_indices = @transform_7, window_bounds = array<i64: 2000, 128>}, {transform_indices = @transform_8, window_bounds = array<i64: 2000, 128>}, {transform_indices = @transform_9, window_bounds = array<i64: 2000, 128>}]} {
    %get3A = arith.constant 0 : index
    %get3A_0 = arith.constant 0 : index
    %get3A_1 = vector.load %arg1[%get3A, %get3A_0] : memref<2000x128xf32, #tpu.memory_space<vmem>>, vector<2000x128xf32>
    %get3A_2 = arith.constant 0 : index
    %get3A_3 = arith.constant 0 : index
    %get3A_4 = vector.load %arg2[%get3A_2, %get3A_3] : memref<128x128xf32, #tpu.memory_space<vmem>>, vector<128x128xf32>
    %dot_general3A = arith.constant dense<0.000000e+00> : vector<2000x128xf32>
    %dot_general3A_5 = tpu.matmul %get3A_1, %get3A_4, %dot_general3A {dimension_numbers = #tpu.dot_dimension_numbers<[1], [0], [0], [1], [0, 0, 1, 1], [], []>, transpose_lhs_hint = false} : vector<2000x128xf32>, vector<128x128xf32>, vector<2000x128xf32> -> vector<2000x128xf32>
    %get3A_6 = arith.constant 0 : index
    %get3A_7 = arith.constant 0 : index
    %get3A_8 = vector.load %arg5[%get3A_6, %get3A_7] : memref<1x128xf32, #tpu.memory_space<vmem>>, vector<1x128xf32>
    %add3A = vector.broadcast %get3A_8 : vector<1x128xf32> to vector<2000x128xf32>
    %add3A_9 = arith.addf %dot_general3A_5, %add3A : vector<2000x128xf32>
    %swap3A = arith.constant 0 : index
    %swap3A_10 = arith.constant 0 : index
    %swap3A_11 = vector.load %arg8[%swap3A, %swap3A_10] : memref<2000x128xf32, #tpu.memory_space<vmem>>, vector<2000x128xf32>
    tpu.vector_store %arg8[%swap3A, %swap3A_10], %add3A_9 {strides = array<i32>} : memref<2000x128xf32, #tpu.memory_space<vmem>>, vector<2000x128xf32>,
    %get3A_12 = arith.constant 0 : index
    %get3A_13 = arith.constant 0 : index
    %get3A_14 = vector.load %arg3[%get3A_12, %get3A_13] : memref<128x128xf32, #tpu.memory_space<vmem>>, vector<128x128xf32>
    %dot_general3A_15 = arith.constant dense<0.000000e+00> : vector<2000x128xf32>
    %dot_general3A_16 = tpu.matmul %get3A_1, %get3A_14, %dot_general3A_15 {dimension_numbers = #tpu.dot_dimension_numbers<[1], [0], [0], [1], [0, 0, 1, 1], [], []>, transpose_lhs_hint = false} : vector<2000x128xf32>, vector<128x128xf32>, vector<2000x128xf32> -> vector<2000x128xf32>
    %get3A_17 = arith.constant 0 : index
    %get3A_18 = arith.constant 0 : index
    %get3A_19 = vector.load %arg6[%get3A_17, %get3A_18] : memref<1x128xf32, #tpu.memory_space<vmem>>, vector<1x128xf32>
    %add3A_20 = vector.broadcast %get3A_19 : vector<1x128xf32> to vector<2000x128xf32>
    %add3A_21 = arith.addf %dot_general3A_16, %add3A_20 : vector<2000x128xf32>
    %swap3A_22 = arith.constant 0 : index
    %swap3A_23 = arith.constant 0 : index
    %swap3A_24 = vector.load %arg9[%swap3A_22, %swap3A_23] : memref<2000x128xf32, #tpu.memory_space<vmem>>, vector<2000x128xf32>
    tpu.vector_store %arg9[%swap3A_22, %swap3A_23], %add3A_21 {strides = array<i32>} : memref<2000x128xf32, #tpu.memory_space<vmem>>, vector<2000x128xf32>,
    %get3A_25 = arith.constant 0 : index
    %get3A_26 = arith.constant 0 : index
    %get3A_27 = vector.load %arg4[%get3A_25, %get3A_26] : memref<128x128xf32, #tpu.memory_space<vmem>>, vector<128x128xf32>
    %dot_general3A_28 = arith.constant dense<0.000000e+00> : vector<2000x128xf32>
    %dot_general3A_29 = tpu.matmul %get3A_1, %get3A_27, %dot_general3A_28 {dimension_numbers = #tpu.dot_dimension_numbers<[1], [0], [0], [1], [0, 0, 1, 1], [], []>, transpose_lhs_hint = false} : vector<2000x128xf32>, vector<128x128xf32>, vector<2000x128xf32> -> vector<2000x128xf32>
    %get3A_30 = arith.constant 0 : index
    %get3A_31 = arith.constant 0 : index
    %get3A_32 = vector.load %arg7[%get3A_30, %get3A_31] : memref<1x128xf32, #tpu.memory_space<vmem>>, vector<1x128xf32>
    %add3A_33 = vector.broadcast %get3A_32 : vector<1x128xf32> to vector<2000x128xf32>
    %add3A_34 = arith.addf %dot_general3A_29, %add3A_33 : vector<2000x128xf32>
    %swap3A_35 = arith.constant 0 : index
    %swap3A_36 = arith.constant 0 : index
    %swap3A_37 = vector.load %arg10[%swap3A_35, %swap3A_36] : memref<2000x128xf32, #tpu.memory_space<vmem>>, vector<2000x128xf32>
    tpu.vector_store %arg10[%swap3A_35, %swap3A_36], %add3A_34 {strides = array<i32>} : memref<2000x128xf32, #tpu.memory_space<vmem>>, vector<2000x128xf32>,
    return
  }
  func.func @transform_0(%arg0: i32) -> (i32, i32) {
    %c0_i32 = arith.constant 0 : i32
    %c0_i32_0 = arith.constant 0 : i32
    return %arg0, %c0_i32 : i32, i32
  }
  func.func @transform_1(%arg0: i32) -> (i32, i32) {
    %c0_i32 = arith.constant 0 : i32
    %c0_i32_0 = arith.constant 0 : i32
    %c0_i32_1 = arith.constant 0 : i32
    return %c0_i32, %c0_i32_0 : i32, i32
  }
  func.func @transform_2(%arg0: i32) -> (i32, i32) {
    %c0_i32 = arith.constant 0 : i32
    %c0_i32_0 = arith.constant 0 : i32
    %c0_i32_1 = arith.constant 0 : i32
    return %c0_i32, %c0_i32_0 : i32, i32
  }
  func.func @transform_3(%arg0: i32) -> (i32, i32) {
    %c0_i32 = arith.constant 0 : i32
    %c0_i32_0 = arith.constant 0 : i32
    %c0_i32_1 = arith.constant 0 : i32
    return %c0_i32, %c0_i32_0 : i32, i32
  }
  func.func @transform_4(%arg0: i32) -> (i32, i32) {
    %c0_i32 = arith.constant 0 : i32
    %c0_i32_0 = arith.constant 0 : i32
    %c0_i32_1 = arith.constant 0 : i32
    return %c0_i32, %c0_i32_0 : i32, i32
  }
  func.func @transform_5(%arg0: i32) -> (i32, i32) {
    %c0_i32 = arith.constant 0 : i32
    %c0_i32_0 = arith.constant 0 : i32
    %c0_i32_1 = arith.constant 0 : i32
    return %c0_i32, %c0_i32_0 : i32, i32
  }
  func.func @transform_6(%arg0: i32) -> (i32, i32) {
    %c0_i32 = arith.constant 0 : i32
    %c0_i32_0 = arith.constant 0 : i32
    %c0_i32_1 = arith.constant 0 : i32
    return %c0_i32, %c0_i32_0 : i32, i32
  }
  func.func @transform_7(%arg0: i32) -> (i32, i32) {
    %c0_i32 = arith.constant 0 : i32
    %c0_i32_0 = arith.constant 0 : i32
    return %arg0, %c0_i32 : i32, i32
  }
  func.func @transform_8(%arg0: i32) -> (i32, i32) {
    %c0_i32 = arith.constant 0 : i32
    %c0_i32_0 = arith.constant 0 : i32
    return %arg0, %c0_i32 : i32, i32
  }
  func.func @transform_9(%arg0: i32) -> (i32, i32) {
    %c0_i32 = arith.constant 0 : i32
    %c0_i32_0 = arith.constant 0 : i32
    return %arg0, %c0_i32 : i32, i32
  }
}

module attributes {stable_mosaic.version = 14 : i64} {
  func.func @_e_out_body(%arg0: i32, %arg1: memref<4000x128xf32, #tpu.memory_space<vmem>>, %arg2: memref<4000x128xf32, #tpu.memory_space<vmem>>, %arg3: memref<2x16x128xf32, #tpu.memory_space<vmem>>, %arg4: memref<1x128xf32, #tpu.memory_space<vmem>>, %arg5: memref<1x128xf32, #tpu.memory_space<vmem>>, %arg6: memref<4000x128xf32, #tpu.memory_space<vmem>>) attributes {dimension_semantics = [#tpu.dimension_semantics<arbitrary>], iteration_bounds = array<i64: 80>, scalar_prefetch = 0 : i64, scratch_operands = 0 : i64, tpu.core_type = #tpu.core_type<tc>, window_params = [{transform_indices = @transform_0, window_bounds = array<i64: 4000, 128>}, {transform_indices = @transform_1, window_bounds = array<i64: 4000, 128>}, {pipeline_mode = #tpu.pipeline_mode<synchronous>, transform_indices = @transform_2, window_bounds = array<i64: 2, 16, 128>}, {pipeline_mode = #tpu.pipeline_mode<synchronous>, transform_indices = @transform_3, window_bounds = array<i64: 1, 128>}, {pipeline_mode = #tpu.pipeline_mode<synchronous>, transform_indices = @transform_4, window_bounds = array<i64: 1, 128>}, {transform_indices = @transform_5, window_bounds = array<i64: 4000, 128>}]} {
    %get3A = arith.constant 0 : index
    %get3A_0 = arith.constant 0 : index
    %get3A_1 = arith.constant 0 : index
    %get3A_2 = vector.load %arg3[%get3A, %get3A_0, %get3A_1] : memref<2x16x128xf32, #tpu.memory_space<vmem>>, vector<2x16x128xf32>
    %slice3A = vector.extract_strided_slice %get3A_2 {offsets = [0, 0, 0], sizes = [1, 16, 64], strides = [1, 1, 1]} : vector<2x16x128xf32> to vector<1x16x64xf32>
    %squeeze3A = vector.shape_cast %slice3A : vector<1x16x64xf32> to vector<16x64xf32>
    %reduce_sum3A = arith.constant dense<0.000000e+00> : vector<64xf32>
    %reduce_sum3A_3 = vector.multi_reduction <add>, %squeeze3A, %reduce_sum3A [0] : vector<16x64xf32> to vector<64xf32>
    %slice3A_4 = vector.extract_strided_slice %get3A_2 {offsets = [1, 0, 0], sizes = [1, 16, 64], strides = [1, 1, 1]} : vector<2x16x128xf32> to vector<1x16x64xf32>
    %squeeze3A_5 = vector.shape_cast %slice3A_4 : vector<1x16x64xf32> to vector<16x64xf32>
    %reduce_sum3A_6 = arith.constant dense<0.000000e+00> : vector<64xf32>
    %reduce_sum3A_7 = vector.multi_reduction <add>, %squeeze3A_5, %reduce_sum3A_6 [0] : vector<16x64xf32> to vector<64xf32>
    %concatenate3A = tpu.concatenate %reduce_sum3A_3, %reduce_sum3A_7 in 0 : vector<64xf32>, vector<64xf32> -> vector<128xf32>
    %slice3A_8 = vector.extract_strided_slice %get3A_2 {offsets = [0, 0, 64], sizes = [1, 16, 64], strides = [1, 1, 1]} : vector<2x16x128xf32> to vector<1x16x64xf32>
    %squeeze3A_9 = vector.shape_cast %slice3A_8 : vector<1x16x64xf32> to vector<16x64xf32>
    %reduce_sum3A_10 = arith.constant dense<0.000000e+00> : vector<64xf32>
    %reduce_sum3A_11 = vector.multi_reduction <add>, %squeeze3A_9, %reduce_sum3A_10 [0] : vector<16x64xf32> to vector<64xf32>
    %slice3A_12 = vector.extract_strided_slice %get3A_2 {offsets = [1, 0, 64], sizes = [1, 16, 64], strides = [1, 1, 1]} : vector<2x16x128xf32> to vector<1x16x64xf32>
    %squeeze3A_13 = vector.shape_cast %slice3A_12 : vector<1x16x64xf32> to vector<16x64xf32>
    %reduce_sum3A_14 = arith.constant dense<0.000000e+00> : vector<64xf32>
    %reduce_sum3A_15 = vector.multi_reduction <add>, %squeeze3A_13, %reduce_sum3A_14 [0] : vector<16x64xf32> to vector<64xf32>
    %concatenate3A_16 = tpu.concatenate %reduce_sum3A_11, %reduce_sum3A_15 in 0 : vector<64xf32>, vector<64xf32> -> vector<128xf32>
    %div3A = arith.constant 3.200000e+05 : f32
    %div3A_17 = vector.broadcast %div3A : f32 to vector<128xf32>
    %div3A_18 = arith.divf %concatenate3A, %div3A_17 : vector<128xf32>
    %div3A_19 = arith.constant 3.200000e+05 : f32
    %div3A_20 = vector.broadcast %div3A_19 : f32 to vector<128xf32>
    %div3A_21 = arith.divf %concatenate3A_16, %div3A_20 : vector<128xf32>
    %mul3A = arith.mulf %div3A_18, %div3A_18 : vector<128xf32>
    %sub3A = arith.subf %div3A_21, %mul3A : vector<128xf32>
    %get3A_22 = arith.constant 0 : index
    %get3A_23 = arith.constant 0 : index
    %get3A_24 = vector.load %arg2[%get3A_22, %get3A_23] : memref<4000x128xf32, #tpu.memory_space<vmem>>, vector<4000x128xf32>
    %broadcast_in_dim3A = vector.shape_cast %div3A_18 : vector<128xf32> to vector<1x128xf32>
    %sub3A_25 = vector.broadcast %broadcast_in_dim3A : vector<1x128xf32> to vector<4000x128xf32>
    %sub3A_26 = arith.subf %get3A_24, %sub3A_25 : vector<4000x128xf32>
    %add3A = arith.constant 9.99999974E-6 : f32
    %add3A_27 = vector.broadcast %add3A : f32 to vector<128xf32>
    %add3A_28 = arith.addf %sub3A, %add3A_27 : vector<128xf32>
    %sqrt3A = math.sqrt %add3A_28 : vector<128xf32>
    %broadcast_in_dim3A_29 = vector.shape_cast %sqrt3A : vector<128xf32> to vector<1x128xf32>
    %div3A_30 = vector.broadcast %broadcast_in_dim3A_29 : vector<1x128xf32> to vector<4000x128xf32>
    %div3A_31 = arith.divf %sub3A_26, %div3A_30 : vector<4000x128xf32>
    %get3A_32 = arith.constant 0 : index
    %get3A_33 = arith.constant 0 : index
    %get3A_34 = vector.load %arg4[%get3A_32, %get3A_33] : memref<1x128xf32, #tpu.memory_space<vmem>>, vector<1x128xf32>
    %mul3A_35 = vector.broadcast %get3A_34 : vector<1x128xf32> to vector<4000x128xf32>
    %mul3A_36 = arith.mulf %div3A_31, %mul3A_35 : vector<4000x128xf32>
    %get3A_37 = arith.constant 0 : index
    %get3A_38 = arith.constant 0 : index
    %get3A_39 = vector.load %arg5[%get3A_37, %get3A_38] : memref<1x128xf32, #tpu.memory_space<vmem>>, vector<1x128xf32>
    %add3A_40 = vector.broadcast %get3A_39 : vector<1x128xf32> to vector<4000x128xf32>
    %add3A_41 = arith.addf %mul3A_36, %add3A_40 : vector<4000x128xf32>
    %get3A_42 = arith.constant 0 : index
    %get3A_43 = arith.constant 0 : index
    %get3A_44 = vector.load %arg1[%get3A_42, %get3A_43] : memref<4000x128xf32, #tpu.memory_space<vmem>>, vector<4000x128xf32>
    %max3A = arith.constant 0.000000e+00 : f32
    %max3A_45 = vector.broadcast %max3A : f32 to vector<4000x128xf32>
    %max3A_46 = arith.maximumf %add3A_41, %max3A_45 : vector<4000x128xf32>
    %add3A_47 = arith.addf %get3A_44, %max3A_46 : vector<4000x128xf32>
    %swap3A = arith.constant 0 : index
    %swap3A_48 = arith.constant 0 : index
    %swap3A_49 = vector.load %arg6[%swap3A, %swap3A_48] : memref<4000x128xf32, #tpu.memory_space<vmem>>, vector<4000x128xf32>
    tpu.vector_store %arg6[%swap3A, %swap3A_48], %add3A_47 {strides = array<i32>} : memref<4000x128xf32, #tpu.memory_space<vmem>>, vector<4000x128xf32>,
    return
  }
  func.func @transform_0(%arg0: i32) -> (i32, i32) {
    %c0_i32 = arith.constant 0 : i32
    %c0_i32_0 = arith.constant 0 : i32
    return %arg0, %c0_i32 : i32, i32
  }
  func.func @transform_1(%arg0: i32) -> (i32, i32) {
    %c0_i32 = arith.constant 0 : i32
    %c0_i32_0 = arith.constant 0 : i32
    return %arg0, %c0_i32 : i32, i32
  }
  func.func @transform_2(%arg0: i32) -> (i32, i32, i32) {
    %c0_i32 = arith.constant 0 : i32
    %c0_i32_0 = arith.constant 0 : i32
    %c0_i32_1 = arith.constant 0 : i32
    %c0_i32_2 = arith.constant 0 : i32
    return %c0_i32, %c0_i32_0, %c0_i32_1 : i32, i32, i32
  }
  func.func @transform_3(%arg0: i32) -> (i32, i32) {
    %c0_i32 = arith.constant 0 : i32
    %c0_i32_0 = arith.constant 0 : i32
    %c0_i32_1 = arith.constant 0 : i32
    return %c0_i32, %c0_i32_0 : i32, i32
  }
  func.func @transform_4(%arg0: i32) -> (i32, i32) {
    %c0_i32 = arith.constant 0 : i32
    %c0_i32_0 = arith.constant 0 : i32
    %c0_i32_1 = arith.constant 0 : i32
    return %c0_i32, %c0_i32_0 : i32, i32
  }
  func.func @transform_5(%arg0: i32) -> (i32, i32) {
    %c0_i32 = arith.constant 0 : i32
    %c0_i32_0 = arith.constant 0 : i32
    return %arg0, %c0_i32 : i32, i32
  }
}

module attributes {stable_mosaic.version = 14 : i64} {
  func.func @_h_out_body(%arg0: i32, %arg1: memref<10000x128xf32, #tpu.memory_space<vmem>>, %arg2: memref<128x128xf32, #tpu.memory_space<vmem>>, %arg3: memref<1x128xf32, #tpu.memory_space<vmem>>, %arg4: memref<10000x64xf32, #tpu.memory_space<vmem>>, %arg5: memref<10000x64xf32, #tpu.memory_space<vmem>>, %arg6: memref<10000x64xf32, #tpu.memory_space<vmem>>, %arg7: memref<10000x64xf32, #tpu.memory_space<vmem>>, %arg8: memref<1x128xf32, #tpu.memory_space<vmem>>, %arg9: memref<1x128xf32, #tpu.memory_space<vmem>>, %arg10: memref<10000x128xf32, #tpu.memory_space<vmem>>) attributes {dimension_semantics = [#tpu.dimension_semantics<arbitrary>], iteration_bounds = array<i64: 1>, scalar_prefetch = 0 : i64, scratch_operands = 0 : i64, tpu.core_type = #tpu.core_type<tc>, window_params = [{pipeline_mode = #tpu.pipeline_mode<synchronous>, transform_indices = @transform_0, window_bounds = array<i64: 10000, 128>}, {pipeline_mode = #tpu.pipeline_mode<synchronous>, transform_indices = @transform_1, window_bounds = array<i64: 128, 128>}, {pipeline_mode = #tpu.pipeline_mode<synchronous>, transform_indices = @transform_2, window_bounds = array<i64: 1, 128>}, {transform_indices = @transform_3, window_bounds = array<i64: 10000, 64>}, {transform_indices = @transform_4, window_bounds = array<i64: 10000, 64>}, {transform_indices = @transform_5, window_bounds = array<i64: 10000, 64>}, {transform_indices = @transform_6, window_bounds = array<i64: 10000, 64>}, {pipeline_mode = #tpu.pipeline_mode<synchronous>, transform_indices = @transform_7, window_bounds = array<i64: 1, 128>}, {pipeline_mode = #tpu.pipeline_mode<synchronous>, transform_indices = @transform_8, window_bounds = array<i64: 1, 128>}, {pipeline_mode = #tpu.pipeline_mode<synchronous>, transform_indices = @transform_9, window_bounds = array<i64: 10000, 128>}]} {
    %get3A = arith.constant 0 : index
    %get3A_0 = arith.constant 0 : index
    %get3A_1 = vector.load %arg1[%get3A, %get3A_0] : memref<10000x128xf32, #tpu.memory_space<vmem>>, vector<10000x128xf32>
    %get3A_2 = arith.constant 0 : index
    %get3A_3 = arith.constant 0 : index
    %get3A_4 = vector.load %arg2[%get3A_2, %get3A_3] : memref<128x128xf32, #tpu.memory_space<vmem>>, vector<128x128xf32>
    %dot_general3A = arith.constant dense<0.000000e+00> : vector<10000x128xf32>
    %dot_general3A_5 = tpu.matmul %get3A_1, %get3A_4, %dot_general3A {dimension_numbers = #tpu.dot_dimension_numbers<[1], [0], [0], [1], [0, 0, 1, 1], [], []>, transpose_lhs_hint = false} : vector<10000x128xf32>, vector<128x128xf32>, vector<10000x128xf32> -> vector<10000x128xf32>
    %get3A_6 = arith.constant 0 : index
    %get3A_7 = arith.constant 0 : index
    %get3A_8 = vector.load %arg3[%get3A_6, %get3A_7] : memref<1x128xf32, #tpu.memory_space<vmem>>, vector<1x128xf32>
    %add3A = vector.broadcast %get3A_8 : vector<1x128xf32> to vector<10000x128xf32>
    %add3A_9 = arith.addf %dot_general3A_5, %add3A : vector<10000x128xf32>
    %get3A_10 = arith.constant 0 : index
    %get3A_11 = arith.constant 0 : index
    %get3A_12 = vector.load %arg4[%get3A_10, %get3A_11] : memref<10000x64xf32, #tpu.memory_space<vmem>>, vector<10000x64xf32>
    %get3A_13 = arith.constant 0 : index
    %get3A_14 = arith.constant 0 : index
    %get3A_15 = vector.load %arg5[%get3A_13, %get3A_14] : memref<10000x64xf32, #tpu.memory_space<vmem>>, vector<10000x64xf32>
    %concatenate3A = tpu.concatenate %get3A_12, %get3A_15 in 1 : vector<10000x64xf32>, vector<10000x64xf32> -> vector<10000x128xf32>
    %get3A_16 = arith.constant 0 : index
    %get3A_17 = arith.constant 0 : index
    %get3A_18 = vector.load %arg6[%get3A_16, %get3A_17] : memref<10000x64xf32, #tpu.memory_space<vmem>>, vector<10000x64xf32>
    %get3A_19 = arith.constant 0 : index
    %get3A_20 = arith.constant 0 : index
    %get3A_21 = vector.load %arg7[%get3A_19, %get3A_20] : memref<10000x64xf32, #tpu.memory_space<vmem>>, vector<10000x64xf32>
    %concatenate3A_22 = tpu.concatenate %get3A_18, %get3A_21 in 1 : vector<10000x64xf32>, vector<10000x64xf32> -> vector<10000x128xf32>
    %add3A_23 = arith.constant 9.99999997E-7 : f32
    %add3A_24 = vector.broadcast %add3A_23 : f32 to vector<10000x128xf32>
    %add3A_25 = arith.addf %concatenate3A_22, %add3A_24 : vector<10000x128xf32>
    %div3A = arith.divf %concatenate3A, %add3A_25 : vector<10000x128xf32>
    %add3A_26 = arith.addf %add3A_9, %div3A : vector<10000x128xf32>
    %reduce_sum3A = arith.constant dense<0.000000e+00> : vector<128xf32>
    %reduce_sum3A_27 = vector.multi_reduction <add>, %add3A_26, %reduce_sum3A [0] : vector<10000x128xf32> to vector<128xf32>
    %div3A_28 = arith.constant 1.000000e+04 : f32
    %div3A_29 = vector.broadcast %div3A_28 : f32 to vector<128xf32>
    %div3A_30 = arith.divf %reduce_sum3A_27, %div3A_29 : vector<128xf32>
    %broadcast_in_dim3A = vector.shape_cast %div3A_30 : vector<128xf32> to vector<1x128xf32>
    %sub3A = vector.broadcast %broadcast_in_dim3A : vector<1x128xf32> to vector<10000x128xf32>
    %sub3A_31 = arith.subf %add3A_26, %sub3A : vector<10000x128xf32>
    %integer_pow3A = arith.mulf %sub3A_31, %sub3A_31 : vector<10000x128xf32>
    %reduce_sum3A_32 = arith.constant dense<0.000000e+00> : vector<128xf32>
    %reduce_sum3A_33 = vector.multi_reduction <add>, %integer_pow3A, %reduce_sum3A_32 [0] : vector<10000x128xf32> to vector<128xf32>
    %div3A_34 = arith.constant 1.000000e+04 : f32
    %div3A_35 = vector.broadcast %div3A_34 : f32 to vector<128xf32>
    %div3A_36 = arith.divf %reduce_sum3A_33, %div3A_35 : vector<128xf32>
    %broadcast_in_dim3A_37 = vector.shape_cast %div3A_30 : vector<128xf32> to vector<1x128xf32>
    %sub3A_38 = vector.broadcast %broadcast_in_dim3A_37 : vector<1x128xf32> to vector<10000x128xf32>
    %sub3A_39 = arith.subf %add3A_26, %sub3A_38 : vector<10000x128xf32>
    %add3A_40 = arith.constant 9.99999974E-6 : f32
    %add3A_41 = vector.broadcast %add3A_40 : f32 to vector<128xf32>
    %add3A_42 = arith.addf %div3A_36, %add3A_41 : vector<128xf32>
    %sqrt3A = math.sqrt %add3A_42 : vector<128xf32>
    %broadcast_in_dim3A_43 = vector.shape_cast %sqrt3A : vector<128xf32> to vector<1x128xf32>
    %div3A_44 = vector.broadcast %broadcast_in_dim3A_43 : vector<1x128xf32> to vector<10000x128xf32>
    %div3A_45 = arith.divf %sub3A_39, %div3A_44 : vector<10000x128xf32>
    %get3A_46 = arith.constant 0 : index
    %get3A_47 = arith.constant 0 : index
    %get3A_48 = vector.load %arg8[%get3A_46, %get3A_47] : memref<1x128xf32, #tpu.memory_space<vmem>>, vector<1x128xf32>
    %mul3A = vector.broadcast %get3A_48 : vector<1x128xf32> to vector<10000x128xf32>
    %mul3A_49 = arith.mulf %div3A_45, %mul3A : vector<10000x128xf32>
    %get3A_50 = arith.constant 0 : index
    %get3A_51 = arith.constant 0 : index
    %get3A_52 = vector.load %arg9[%get3A_50, %get3A_51] : memref<1x128xf32, #tpu.memory_space<vmem>>, vector<1x128xf32>
    %add3A_53 = vector.broadcast %get3A_52 : vector<1x128xf32> to vector<10000x128xf32>
    %add3A_54 = arith.addf %mul3A_49, %add3A_53 : vector<10000x128xf32>
    %max3A = arith.constant 0.000000e+00 : f32
    %max3A_55 = vector.broadcast %max3A : f32 to vector<10000x128xf32>
    %max3A_56 = arith.maximumf %add3A_54, %max3A_55 : vector<10000x128xf32>
    %add3A_57 = arith.addf %get3A_1, %max3A_56 : vector<10000x128xf32>
    %swap3A = arith.constant 0 : index
    %swap3A_58 = arith.constant 0 : index
    %swap3A_59 = vector.load %arg10[%swap3A, %swap3A_58] : memref<10000x128xf32, #tpu.memory_space<vmem>>, vector<10000x128xf32>
    tpu.vector_store %arg10[%swap3A, %swap3A_58], %add3A_57 {strides = array<i32>} : memref<10000x128xf32, #tpu.memory_space<vmem>>, vector<10000x128xf32>,
    return
  }
  func.func @transform_0(%arg0: i32) -> (i32, i32) {
    %c0_i32 = arith.constant 0 : i32
    %c0_i32_0 = arith.constant 0 : i32
    %c0_i32_1 = arith.constant 0 : i32
    return %c0_i32, %c0_i32_0 : i32, i32
  }
  func.func @transform_1(%arg0: i32) -> (i32, i32) {
    %c0_i32 = arith.constant 0 : i32
    %c0_i32_0 = arith.constant 0 : i32
    %c0_i32_1 = arith.constant 0 : i32
    return %c0_i32, %c0_i32_0 : i32, i32
  }
  func.func @transform_2(%arg0: i32) -> (i32, i32) {
    %c0_i32 = arith.constant 0 : i32
    %c0_i32_0 = arith.constant 0 : i32
    %c0_i32_1 = arith.constant 0 : i32
    return %c0_i32, %c0_i32_0 : i32, i32
  }
  func.func @transform_3(%arg0: i32) -> (i32, i32) {
    %c0_i32 = arith.constant 0 : i32
    %c0_i32_0 = arith.constant 0 : i32
    %c0_i32_1 = arith.constant 0 : i32
    return %c0_i32, %c0_i32_0 : i32, i32
  }
  func.func @transform_4(%arg0: i32) -> (i32, i32) {
    %c1_i32 = arith.constant 1 : i32
    %c0_i32 = arith.constant 0 : i32
    %c0_i32_0 = arith.constant 0 : i32
    return %c1_i32, %c0_i32 : i32, i32
  }
  func.func @transform_5(%arg0: i32) -> (i32, i32) {
    %c0_i32 = arith.constant 0 : i32
    %c0_i32_0 = arith.constant 0 : i32
    %c0_i32_1 = arith.constant 0 : i32
    return %c0_i32, %c0_i32_0 : i32, i32
  }
  func.func @transform_6(%arg0: i32) -> (i32, i32) {
    %c1_i32 = arith.constant 1 : i32
    %c0_i32 = arith.constant 0 : i32
    %c0_i32_0 = arith.constant 0 : i32
    return %c1_i32, %c0_i32 : i32, i32
  }
  func.func @transform_7(%arg0: i32) -> (i32, i32) {
    %c0_i32 = arith.constant 0 : i32
    %c0_i32_0 = arith.constant 0 : i32
    %c0_i32_1 = arith.constant 0 : i32
    return %c0_i32, %c0_i32_0 : i32, i32
  }
  func.func @transform_8(%arg0: i32) -> (i32, i32) {
    %c0_i32 = arith.constant 0 : i32
    %c0_i32_0 = arith.constant 0 : i32
    %c0_i32_1 = arith.constant 0 : i32
    return %c0_i32, %c0_i32_0 : i32, i32
  }
  func.func @transform_9(%arg0: i32) -> (i32, i32) {
    %c0_i32 = arith.constant 0 : i32
    %c0_i32_0 = arith.constant 0 : i32
    %c0_i32_1 = arith.constant 0 : i32
    return %c0_i32, %c0_i32_0 : i32, i32
  }
}

</mosaic_0001>

<sc_bundles>
// kernel: kernel.7.cloned.1.call-start
scs
__scs_entry_jumppad:
0x0: {  	(pc) =	sbr.rel $0x88, $3  }
0x1: {  	(tag) =	ssettag $0x0;
	lr =	simm.s32 $0x1  }
0x2: {  	[smem:$0x3F90] =	sst lr;
	_ =	strace $0xD0000000  }
0x3: {  	_ = 	snop  }
0x4: {  	_ = 	snop  }
0x5: {  	_ = 	snop  }
0x6: {  	_ = 	snop  }
0x7: {  	_ = 	snop  }
__scs_overlays_trampoline_lowered:
0x8: {  	[smem:$0x3F9F] =	sst s0  }
0x9: {  	[smem:$0x3FA0] =	sst s1  }
0xa: {  	[smem:$0x3FA1] =	sst s2  }
0xb: {  	[smem:$0x3FA2] =	sst s3  }
0xc: {  	[smem:$0x3FA3] =	sst s4  }
0xd: {  	[smem:$0x3FA4] =	sst s5  }
0xe: {  	[smem:$0x3FA5] =	sst s6  }
0xf: {  	[smem:$0x3FA6] =	sst s7  }
0x10: {  	[smem:$0x3FA7] =	sst s8  }
0x11: {  	[smem:$0x3FA8] =	sst s9;
	s0 =	simm.s32 @!p0 $0x0  }
0x12: {  	s1 =	sld [smem:$0x3F8E];
	s0 =	simm.s32 @p0 $0x1  }
0x13: {  	[smem:$0x3FA9] =	sst s0;
	s0 =	simm.s32 @!p1 $0x0  }
0x14: {  	s2 =	sld [smem:$0x3F8D];
	s0 =	simm.s32 @p1 $0x1  }
0x15: {  	[smem:$0x3FAA] =	sst s0;
	s0 =	simm.s32 @!p2 $0x0  }
0x16: {  	s3 =	sld [smem:$0x3FDB];
	s0 =	simm.s32 @p2 $0x1  }
0x17: {  	s4 =	simm.s32 $0x1BF5;
	[smem:$0x3FAC] =	sst s0  }
0x18: {  	s0 =	sld [smem:$0x3F8F];
	_ =	swait.ge [sflag:s4], $0x0  }
0x19: {  	s7 =	sld [smem:$0x3F90]  }
0x1a: {  	s8 =	sadd.s32 $0xFFFFE003, lr  }
0x1b: {  	s9 =	sadd.s32 $0xFFFFFEF7, lr;
	s5 =	simm.s32 $0xFFFFFFFF;
	p2 =	slt.u32 s8, $0xFFFFF086  }
0x1c: {  	p1 =	slt.u32 s9, $0xF7A;
	s5 =	simm.s32 @!p2 $0x0  }
0x1d: {  	s5 =	simm.s32 @p1 $0x1;
	p0 =	seq.s32 s7, s2  }
0x1e: {  	s7 =	smul.u32 @!p0 $0xF7A, s2;
	p2 =	seq.s32 @!p0 s5, $0x0  }
0x1f: {  	s9 =	smul.u32 $0xF7A, s1;
	s8 =	simm.s32 @!p0 $0x1BF5;
	p2 =	por !p2, p0  }
0x20: {  	[sflag:s8] =	ssyncset.s32 @!p0 $0xFFFFF086;
	s6 =	sadd.s32 @!p0 s3, s7;
	s7 =	simm.s32 @!p0 $0x108  }
0x21: {  	s3 =	sadd.s32 s3, s9;
	s6 =	sadd.s32 @!p0 $0x88, s6;
	s7 =	simm.s32 @p2 $0x1082  }
0x22: {  	[simem:s7], [sflag:s8] =	dma.local @!p0 [hbm:s6], $0xF7A  }
0x23: {  	s9 =	sor.u32 $0xD0000000, s2;
	s6 =	simm.s32 $0x108;
	_ =	swait.ge @!p0 [sflag:s8], $0x0  }
0x24: {  	s3 =	sadd.s32 $0x88, s3;
	s6 =	simm.s32 @!p1 $0x1082;
	[sflag:s4] =	ssyncset.s32 $0xFFFFF086  }
0x25: {  	[simem:s6], [sflag:s4] =	dma.local [hbm:s3], $0xF7A  }
0x26: {  	[smem:$0x3F90] =	sst s1;
	(tag) =	ssettag s2;
	_ =	strace s9  }
0x27: {  	s1 =	sld [smem:$0x3FA0]  }
0x28: {  	s2 =	sld [smem:$0x3FA1]  }
0x29: {  	s4 =	sld [smem:$0x3FA3]  }
0x2a: {  	p0 =	seq.s32 s5, $0x0;
	s5 =	sld [smem:$0x3FA4]  }
0x2b: {  	s6 =	sld [smem:$0x3FA5]  }
0x2c: {  	s7 =	sld [smem:$0x3FA6]  }
0x2d: {  	s3 =	simm.s32 $0x108;
	s8 =	sld [smem:$0x3FA7]  }
0x2e: {  	s3 =	simm.s32 @!p0 $0x1082;
	s9 =	sld [smem:$0x3FA8]  }
0x2f: {  	lr =	sadd.s32 s0, s3;
	s0 =	sld [smem:$0x3F9F]  }
0x30: {  	s3 =	sld [smem:$0x3FA2]  }
0x31: {  	[smem:$0x3FAB] =	sst s10  }
0x32: {  	s10 =	sld [smem:$0x3FA9];
	_ =	sdelay $0x3  }
0x33: {  	p0 =	seq.s32 s10, $0x1;
	s10 =	sld [smem:$0x3FAB];
	_ =	sdelay $0x3  }
0x34: {  	[smem:$0x3FAB] =	sst s10  }
0x35: {  	s10 =	sld [smem:$0x3FAA];
	_ =	sdelay $0x3  }
0x36: {  	p1 =	seq.s32 s10, $0x1;
	s10 =	sld [smem:$0x3FAB];
	_ =	sdelay $0x3  }
0x37: {  	[smem:$0x3FAB] =	sst s10  }
0x38: {  	s10 =	sld [smem:$0x3FAC]  }
0x39: {  	_ = 	snop;
	(pc) =	sbr.ind lr, $3  }
0x3a: {  	_ = 	snop  }
0x3b: {  	_ = 	snop  }
0x3c: {  	p2 =	seq.s32 s10, $0x1;
	s10 =	sld [smem:$0x3FAB]  }
0x3d: {  	_ =	shalt  }
0x3e: {  	_ =	shalt  }
0x3f: {  	_ =	shalt  }
0x40: {  	_ =	shalt  }
0x41: {  	_ =	shalt  }
0x42: {  	_ =	shalt  }
0x43: {  	_ =	shalt  }
0x44: {  	_ =	shalt  }
0x45: {  	_ =	shalt  }
0x46: {  	_ =	shalt  }
0x47: {  	_ =	shalt  }
0x48: {  	_ =	shalt  }
0x49: {  	_ =	shalt  }
0x4a: {  	_ =	shalt  }
0x4b: {  	_ =	shalt  }
0x4c: {  	_ =	shalt  }
0x4d: {  	_ =	shalt  }
0x4e: {  	_ =	shalt  }
0x4f: {  	_ =	shalt  }
0x50: {  	_ =	shalt  }
0x51: {  	_ =	shalt  }
0x52: {  	_ =	shalt  }
0x53: {  	_ =	shalt  }
0x54: {  	_ =	shalt  }
0x55: {  	_ =	shalt  }
0x56: {  	_ =	shalt  }
0x57: {  	_ =	shalt  }
0x58: {  	_ =	shalt  }
0x59: {  	_ =	shalt  }
0x5a: {  	_ =	shalt  }
0x5b: {  	_ =	shalt  }
0x5c: {  	_ =	shalt  }
0x5d: {  	_ =	shalt  }
0x5e: {  	_ =	shalt  }
0x5f: {  	_ =	shalt  }
0x60: {  	_ =	shalt  }
0x61: {  	_ =	shalt  }
0x62: {  	_ =	shalt  }
0x63: {  	_ =	shalt  }
0x64: {  	_ =	shalt  }
0x65: {  	_ =	shalt  }
0x66: {  	_ =	shalt  }
0x67: {  	_ =	shalt  }
0x68: {  	_ =	shalt  }
0x69: {  	_ =	shalt  }
0x6a: {  	_ =	shalt  }
0x6b: {  	_ =	shalt  }
0x6c: {  	_ =	shalt  }
0x6d: {  	_ =	shalt  }
0x6e: {  	_ =	shalt  }
0x6f: {  	_ =	shalt  }
0x70: {  	_ =	shalt  }
0x71: {  	_ =	shalt  }
0x72: {  	_ =	shalt  }
0x73: {  	_ =	shalt  }
0x74: {  	_ =	shalt  }
0x75: {  	_ =	shalt  }
0x76: {  	_ =	shalt  }
0x77: {  	_ =	shalt  }
0x78: {  	_ =	shalt  }
0x79: {  	_ =	shalt  }
0x7a: {  	_ =	shalt  }
0x7b: {  	_ =	shalt  }
0x7c: {  	_ =	shalt  }
0x7d: {  	_ =	shalt  }
0x7e: {  	_ =	shalt  }
0x7f: {  	_ =	shalt  }
0x80: {  	_ =	shalt  }
0x81: {  	_ =	shalt  }
0x82: {  	_ =	shalt  }
0x83: {  	_ =	shalt  }
0x84: {  	_ =	shalt  }
0x85: {  	_ =	shalt  }
0x86: {  	_ =	shalt  }
0x87: {  	_ =	shalt  }
.Lfunc_end0:
.L_simem_size_0:
called_computation_lowered:
.L_overlay_start_0:
0x88: {  	s2 =	sld [smem:$0x3FD9]  }
0x89: {  	s3 =	sld [smem:$0x3FFE];
	_ =	sdelay $0x1  }
0x8a: {  	s1 =	srdreg.scid  }
0x8b: {  	s0 =	sand.u32 $0x1, s1  }
0x8c: {  	s14 =	sshll.u32 s0, $0xA;
	s2 =	sadd.s32 s3, s2  }
0x8d: {  	s2 =	sadd.s32 s2, s14  }
0x8e: {  	[smem:$0x3FB7] =	sst s2  }
0x8f: {  	_ = 	snop  }
0x90: {  	s2 =	sld [smem:$0x3FD0];
	_ =	sdelay $0x2  }
0x91: {  	s15 =	simm.s32 $0xA;
	s4 =	simm.s32 $0x10  }
0x92: {  	[smem:s4], [sflag:s15] =	dma.local [hbm:s2], $0x1  }
0x93: {  	_ =	swait.eq [sflag:s15], $0x1  }
0x94: {  	[sflag:s15] =	ssyncset.done $0x0  }
0x95: {  	s16 =	sld [smem:$0x10];
	[sflag:s15] =	ssyncadd.s32 $0xFFFFFFFF  }
0x96: {  	s17 =	sld [smem:$0x11];
	(tm) =	ssettm $0x1  }
0x97: {  	s18 =	sld [smem:$0x3FFB];
	_ =	sdelay $0x3  }
0x98: {  	_ =	strace s18  }
0x99: {  	s4 =	sld [smem:$0x3FFC];
	_ =	sdelay $0x3  }
0x9a: {  	_ =	strace s4  }
0x9b: {  	s4 =	sld [smem:$0x3FFD];
	_ =	sdelay $0x3  }
0x9c: {  	_ =	strace s4  }
0x9d: {  	_ =	strace $0x8FFFFFFF  }
0x9e: {  	s19 =	sld [smem:$0x3FDB];
	_ =	sdelay $0x1  }
0x9f: {  	s5 =	simm.s32 $_scs_section_size  }
0xa0: {  	s6 =	simm.s32 $_size__tile_overlayer_lowered;
	s7 =	simm.s32 $_tile_overlayer_lowered  }
0xa1: {  	s22 =	simm.s32 $0x1BFF;
	s21 =	sshll.u32 s7, $0x1;
	s4 =	sadd.s32 s5, s19  }
0xa2: {  	s8 =	simm.s32 $0x0;
	s20 =	sshll.u32 s6, $0x1;
	s6 =	sadd.s32 s21, s4  }
0xa3: {  	[timem:s8], [sflag:s22] =	dma.local [hbm:s6], s20  }
0xa4: {  	_ =	swait.ge [sflag:s22], s20  }
0xa5: {  	s5 =	ssub.s32 $0x0, s20;
	[sflag:s22] =	ssyncset.done $0x0  }
0xa6: {  	[sflag:s22] =	ssyncadd.s32 s5;
	_ =	sdelay $0x1  }
0xa7: {  	s23 =	simm.s32 $0x1B8B  }
0xa8: {  	_ =	swait.ge [sflag:s23], $0x1  }
0xa9: {  	[sflag:s23] =	ssyncset.done $0x0  }
0xaa: {  	s25 =	simm.s32 $0x1B8E;
	s24 =	sld [smem:$0x3FFE];
	[sflag:s23] =	ssyncadd.s32 $0xFFFFFFFF  }
0xab: {  	s26 =	simm.s32 $execute0_lowered;
	[smem:$0x3FD2] =	sst s25  }
0xac: {  	s6 =	sshll.u32 s26, $0x1;
	_ =	strace $0x80000046;
	[dreg:$0x1] =	wrdreg $0xFFFFFFFF  }
0xad: {  	s28 =	simm.s32 $_size_execute0_lowered;
	s4 =	sadd.s32 s4, s6;
	[dreg:$0x0] =	wrdreg $0x0  }
0xae: {  	s6 =	sshll.u32 s28, $0x1;
	[dreg:$0x2] =	wrdreg s4  }
0xaf: {  	[dreg:$0x3] =	wrdreg s6  }
0xb0: {  	[dreg:$0x4] =	wrdreg $0xC0  }
0xb1: {  	_ =	task [dreg:s8], $0x5FFFF  }
0xb2: {  	[dreg:$0x1] =	wrdreg $0xFFFFFFFF  }
0xb3: {  	[dreg:$0x0] =	wrdreg $0x60  }
0xb4: {  	[dreg:$0x2] =	wrdreg s24  }
0xb5: {  	[dreg:$0x3] =	wrdreg s16  }
0xb6: {  	[dreg:$0x4] =	wrdreg s17  }
0xb7: {  	[dreg:$0x5] =	wrdreg $0xA1C00  }
0xb8: {  	[dreg:$0x6] =	wrdreg $0x13E000  }
0xb9: {  	[dreg:$0x7] =	wrdreg $0x9  }
0xba: {  	_ =	task.clear_ibuf [dreg:s8], $0x8FFFF;
	_ =	strace $0x90000046  }
0xbb: {  	s29 =	simm.s32 $0x9;
	_ =	strace $0x80000048  }
0xbc: {  	_ =	swait.ge [sflag:s29], $0x1  }
0xbd: {  	[sflag:s29] =	ssyncadd.s32 $0xFFFFFFFF  }
0xbe: {  	_ =	strace $0x90000048  }
0xbf: {  	_ =	sfence  }
0xc0: {  	s30 =	sld [smem:$0x0];
	_ =	sdelay $0x2  }
0xc1: {  	s31 =	sshll.u32 s1, $0xD;
	s1 =	sshrl.u32 s1, $0x2  }
0xc2: {  	s3 =	sand.u32 $0x4000, s31;
	s1 =	sadd.s32 s1, s30  }
0xc3: {  	s0 =	sor.u32 s3, s0;
	s1 =	sshll.u32 s1, $0x11  }
0xc4: {  	s0 =	sor.u32 s1, s0  }
0xc5: {  	s0 =	sadd.s32 $0x8F2B, s0  }
0xc6: {  	[sflag:s0] =	ssyncadd.remote.s32 $0x1  }
0xc7: {  	_ =	sfence.sel $0xFFFF  }
0xc8: {  	[dreg:$0x0] =	wrdreg $0xFFFFFFFF;
	(pc) =	sbr.abs _section_cstart, $3  }
0xc9: {  	[dreg:$0x1] =	wrdreg $0xFFFFFFFF  }
0xca: {  	_ =	task.clear_ibuf [dreg:s8], $0x2FFFF;
	_ =	strace $0x9FFFFFFF  }
0xcb: {  	(tm) =	ssettm $0x7FFFFFFF  }
tec
execute0_lowered:
.L_overlay_start_1:
0x0: {  	(tag) =	ssettag $0x1  }
0x1: {  	s0 =	rddreg [dreg:$0x0]  }
0x2: {  	s7 =	rddreg [dreg:$0x1]  }
0x3: {  	s8 =	rddreg [dreg:$0x2]  }
0x4: {  	s12 =	rddreg [dreg:$0x3]  }
0x5: {  	s15 =	rddreg [dreg:$0x4];
	s2 =	simm.s32 $0x0  }
0x6: {  	s1 =	srdreg.scid;
	s13 =	stileid.u32;
	s30 =	simm.s32 $0x40  }
0x7: {  	s31 =	simm.s32 $0x80;
	s16 =	simm.s32 $0x8D40;
	s28 =	simm.s32 $0x0  }
0x8: {  	[smem:$0x7FF] =	sst s2;
	s3 =	sand.u32 $0x1, s1;
	s18 =	smul.u32 $0x280, s13  }
0x9: {  	s17 =	sadd.s32 $0xD600, s0;
	s4 =	sadd.s32 $0x3800, s0;
	s6 =	smul.u32 $0x28000, s13  }
0xa: {  	s9 =	sadd.s32 $0x3E600, s0;
	s10 =	sadd.s32 $0x17400, s0;
	s22 =	smul.u32 $0x1400, s13  }
0xb: {  	s11 =	sadd.s32 $0xB3E00, s0;
	s19 =	sshll.u32 s13, $0x4;
	s13 =	smul.u32 $0x4E20, s13  }
0xc: {  	s1 =	smul.u32 $0x13880, s3;
	_ =	strace $0x80000047;
	[dreg:$0x6] =	wrdreg s17  }
0xd: {  	[dreg:$0x7] =	wrdreg s4;
	s5 =	ssub.s32 $0x2, s3;
	s21 =	sshll.u32 s3, $0x8  }
0xe: {  	s14 =	sshll.u32 s3, $0x3;
	s17 =	simm.s32 $0x8D60;
	s2 =	ssub.s32 $0x2710, s18  }
0xf: {  	s20 =	sshrl.u32 s5, $0x1;
	s24 =	sshrl.u32 s6, $0x2;
	s6 =	simm.s32 $0x2  }
0x10: {  	s18 =	simm.s32 $0x8DA0;
	s1 =	sadd.s32 s1, s0;
	s2 =	smin.u32 s2, $0x280  }
0x11: {  	s0 =	sadd.s32 s19, s0;
	s4 =	ssub.s32 s5, s20;
	s25 =	sadd.s32 s24, s12  }
0x12: {  	s5 =	simm.s32 $0x1;
	s19 =	simm.s32 $0x8D80;
	s20 =	simm.s32 $0x8D50  }
0x13: {  	s12 =	simm.s32 $0x8D90;
	s2 =	smul.u32 $0x334, s2;
	s0 =	sadd.s32 s21, s0  }
0x14: {  	s23 =	smax.u32 s4, $0x1;
	s1 =	sadd.s32 s22, s1;
	[dreg:$0xb] =	wrdreg s25  }
0x15: {  	s21 =	simm.s32 $0x8DC0;
	s0 =	sadd.s32 $0xB3C00, s0;
	[dreg:$0xa] =	wrdreg s23  }
0x16: {  	s22 =	simm.s32 $0x4;
	s26 =	sadd.s32 $0x65800, s1;
	[dreg:$0x9] =	wrdreg s0  }
0x17: {  	s29 =	sadd.s32 $0x8CA00, s1;
	s23 =	simm.s32 $0x50;
	[dreg:$0xd] =	wrdreg s26  }
0x18: {  	s1 =	simm.s32 $0x8D70;
	s2 =	sshrl.u32 s2, $0x10;
	[dreg:$0xe] =	wrdreg s29  }
0x19: {  	s0 =	sadd.s32 s24, s15;
	s24 =	simm.s32 $0xA0;
	[dreg:$0x8] =	wrdreg s2  }
0x1a: {  	v1 =	vimm.f32 $0.0e+00;
	v0 =	vmov s3;
	s15 =	simm.s32 $0x3;
	[dreg:$0xc] =	wrdreg s0;
	s2 =	simm.s32 $0x8DB0  }
.LBB2_1:
0x1b: {  	[dreg:$0xf] =	wrdreg s28;
	s3 =	simm.s32 $0x100;
	s0 =	simm.s32 $0x0  }
.LBB2_2:
0x1c: {  	p0 =	sne.s32 s3, $0x4F00;
	[tilespmem:s0+$0x8DF0] =	vst v1;
	s4 =	smov.u32 s3;
	s3 =	sadd.s32 $0x100, s3  }
.Ltmp0:
0x1d: {  	[tilespmem:s0+$0x8DE0] =	vst v1;
	(pc) =	sbr.rel @p0 .LBB2_2-.Ltmp0, $3  }
0x1e: {  	[tilespmem:s0+$0x8DC0] =	vst v1  }
0x1f: {  	[tilespmem:s0+$0x8DD0] =	vst v1;
	_ =	sdelay $0x1  }
0x20: {  	s0 =	sshra.s32 s4, $0x2  }
0x21: {  	[tilespmem:s0+$0x8DF0] =	vst v1  }
0x22: {  	[tilespmem:s0+$0x8DE0] =	vst v1  }
0x23: {  	[tilespmem:s0+$0x8DC0] =	vst v1  }
0x24: {  	[tilespmem:s0+$0x8DD0] =	vst v1  }
0x25: {  	[tilespmem:$0x8D40] =	vst v1  }
0x26: {  	[tilespmem:$0x8D50] =	vst v1  }
0x27: {  	[tilespmem:$0x8D60] =	vst v1  }
0x28: {  	[tilespmem:$0x8D70] =	vst v1  }
0x29: {  	[tilespmem:$0x8D80] =	vst v1  }
0x2a: {  	[tilespmem:$0x8D90] =	vst v1  }
0x2b: {  	[tilespmem:$0x8DA0] =	vst v1  }
0x2c: {  	s3 =	rddreg [dreg:$0xb];
	[tilespmem:$0x8DB0] =	vst v1  }
0x2d: {  	[spmem:s3] =	stream.linear.scatter [tilespmem:s21], [sflag:$0x4], $0x1400, $0x38;
	[tilespmem:$0x1DA40] =	vst v63  }
0x2e: {  	_ =	swait.ge [sflag:s22], $0x1400  }
0x2f: {  	s29 =	rddreg [dreg:$0x8]  }
0x30: {  	p0 =	sne.s32 s29, $0x1  }
.Ltmp1:
0x31: {  	[sflag:s22] =	ssyncset.done $0x0;
	(pc) =	sbr.rel @!p0 .LBB2_5-.Ltmp1, $4  }
0x32: {  	s4 =	rddreg [dreg:$0xc];
	[sflag:s22] =	ssyncadd.s32 $0xFFFFEC00  }
0x33: {  	[spmem:s4] =	stream.linear.scatter [tilespmem:s21], [sflag:$0x4], $0x1400, $0x38;
	[tilespmem:$0x1DA40] =	vst v63  }
0x34: {  	_ =	swait.ge [sflag:s22], $0x1400  }
0x35: {  	s0 =	sadd.s32 $0xFFFFFFFF, s29;
	[sflag:s22] =	ssyncset.done $0x0  }
.LBB2_4:
0x36: {  	[sflag:s22] =	ssyncadd.s32 $0xFFFFEC00;
	s3 =	sadd.s32 $0x1400, s3;
	s4 =	sadd.s32 $0x1400, s4  }
0x37: {  	[spmem:s3] =	stream.linear.scatter [tilespmem:s21], [sflag:$0x4], $0x1400, $0x38;
	[tilespmem:$0x1DA40] =	vst v63  }
0x38: {  	p1 =	sne.s32 s0, $0x1;
	s0 =	sadd.s32 $0xFFFFFFFF, s0;
	_ =	swait.ge [sflag:s22], $0x1400  }
.Ltmp2:
0x39: {  	[sflag:s22] =	ssyncset.done $0x0;
	(pc) =	sbr.rel @p1 .LBB2_4-.Ltmp2, $4  }
0x3a: {  	[sflag:s22] =	ssyncadd.s32 $0xFFFFEC00  }
0x3b: {  	[spmem:s4] =	stream.linear.scatter [tilespmem:s21], [sflag:$0x4], $0x1400, $0x38;
	[tilespmem:$0x1DA40] =	vst v63  }
0x3c: {  	_ =	swait.ge [sflag:s22], $0x1400  }
0x3d: {  	[sflag:s22] =	ssyncset.done $0x0  }
.LBB2_5:
0x3e: {  	[sflag:s22] =	ssyncadd.s32 $0xFFFFEC00  }
0x3f: {  	s26 =	simm.s32 $0x0;
	s28 =	simm.s32 $0x0;
	[bflag:$0x0] =	sbarrier.arrive $0xFFFF  }
.LBB2_6:
0x40: {  	s0 =	smul.u32 $0x50, s28;
	_ =	sdelay $0x1  }
0x41: {  	s0 =	sadd.s32 s13, s0  }
0x42: {  	s4 =	rddreg [dreg:$0x6];
	s3 =	sshrl.u32 s0, $0x3  }
0x43: {  	s4 =	sadd.s32 s4, s3  }
0x44: {  	[tilespmem:s26], [sflag:$0x4] =	stream.linear.gather [hbm4b:s4+s26], $0x50, $0x38;
	[tilespmem:$0x1DA40] =	vst v63  }
0x45: {  	_ =	swait.ge [sflag:s22], $0x50  }
0x46: {  	[sflag:s22] =	ssyncset.done $0x0;
	s25 =	rddreg [dreg:$0x7]  }
0x47: {  	[sflag:s22] =	ssyncadd.s32 $0xFFFFFFB0;
	s3 =	sadd.s32 s25, s3  }
0x48: {  	[tilespmem:s23], [sflag:$0x4] =	stream.linear.gather [hbm4b:s3+s26], $0x50, $0x38;
	[tilespmem:$0x1DA40] =	vst v63  }
0x49: {  	_ =	swait.ge [sflag:s22], $0x50  }
0x4a: {  	[sflag:s22] =	ssyncset.done $0x0  }
0x4b: {  	[sflag:s22] =	ssyncadd.s32 $0xFFFFFFB0  }
0x4c: {  	v2 =	vld [tilespmem:$0x0]  }
0x4d: {  	v3 =	vld [tilespmem:$0x50]  }
0x4e: {  	v4 =	vld [tilespmem:$0x10]  }
0x4f: {  	v5 =	vld [tilespmem:$0x60]  }
0x50: {  	v6 =	vld [tilespmem:$0x20]  }
0x51: {  	v7 =	vld [tilespmem:$0x70];
	v2 =	vshll.u32 v2, $0x1  }
0x52: {  	v8 =	vld [tilespmem:$0x30];
	v3 =	vshll.u32 v3, $0x1;
	v2 =	vor.u32 v0, v2  }
0x53: {  	[tilespmem:$0xA0] =	vst v2;
	v2 =	vor.u32 v0, v3;
	v3 =	vshll.u32 v4, $0x1;
	v4 =	vld [tilespmem:$0x80]  }
0x54: {  	[tilespmem:$0xF0] =	vst v2;
	v2 =	vor.u32 v0, v3;
	v3 =	vshll.u32 v5, $0x1;
	v5 =	vld [tilespmem:$0x40]  }
0x55: {  	[tilespmem:$0xB0] =	vst v2;
	v2 =	vor.u32 v0, v3;
	v3 =	vshll.u32 v6, $0x1;
	v6 =	vld [tilespmem:$0x90]  }
0x56: {  	[tilespmem:$0x100] =	vst v2;
	v2 =	vor.u32 v0, v3;
	v3 =	vshll.u32 v7, $0x1  }
0x57: {  	[tilespmem:$0xC0] =	vst v2;
	v2 =	vor.u32 v0, v3;
	v3 =	vshll.u32 v8, $0x1  }
0x58: {  	[tilespmem:$0x110] =	vst v2;
	v2 =	vor.u32 v0, v3;
	v3 =	vshll.u32 v4, $0x1  }
0x59: {  	[tilespmem:$0xD0] =	vst v2;
	v2 =	vor.u32 v0, v3;
	v3 =	vshll.u32 v5, $0x1  }
0x5a: {  	[tilespmem:$0x120] =	vst v2;
	v2 =	vor.u32 v0, v3;
	v3 =	vshll.u32 v6, $0x1  }
0x5b: {  	[tilespmem:$0xE0] =	vst v2;
	v2 =	vor.u32 v0, v3  }
0x5c: {  	s25 =	simm.s32 $0x140;
	[tilespmem:$0x130] =	vst v2  }
0x5d: {  	[tilespmem:s25], [sflag:$0x1] =	stream.indirect.gather [hbm4b:s7+s23], $0x40, s24, s23, $0xb8;
	[tilespmem:$0x1DA40] =	vst v63  }
0x5e: {  	s0 =	sshll.u32 s0, $0x4;
	s4 =	simm.s32 $0xF0;
	s25 =	simm.s32 $0x1540  }
0x5f: {  	[tilespmem:s25], [sflag:$0x2] =	stream.indirect.gather [hbm4b:s9+s23], $0x40, s4, s23, $0xb8;
	[tilespmem:$0x1DA40] =	vst v63  }
0x60: {  	s29 =	sor.u32 s14, s0;
	s4 =	simm.s32 $0x2940  }
0x61: {  	[tilespmem:s4], [sflag:$0x3] =	stream.indirect.gather [hbm4b:s10+s23], $0x40, s24, s23, $0xb8;
	[tilespmem:$0x1DA40] =	vst v63  }
0x62: {  	s0 =	sadd.s32 s8, s29;
	s25 =	simm.s32 $0x3D40  }
0x63: {  	[tilespmem:s25], [sflag:$0x4] =	stream.strided.gather [hbm4b:s0+s30], $0x1400, s31, s30, $0x38;
	[tilespmem:$0x1DA40] =	vst v63  }
0x64: {  	_ =	swait.ge [sflag:s22], $0x1400  }
0x65: {  	[sflag:s22] =	ssyncset.done $0x0  }
0x66: {  	[sflag:s22] =	ssyncadd.s32 $0xFFFFEC00  }
0x67: {  	_ =	swait.ge [sflag:s5], $0x1400  }
0x68: {  	[sflag:s5] =	ssyncset.done $0x0  }
0x69: {  	[sflag:s5] =	ssyncadd.s32 $0xFFFFEC00  }
0x6a: {  	_ =	swait.ge [sflag:s6], $0x1400  }
0x6b: {  	[sflag:s6] =	ssyncset.done $0x0  }
0x6c: {  	[sflag:s6] =	ssyncadd.s32 $0xFFFFEC00  }
0x6d: {  	_ =	swait.ge [sflag:s15], $0x1400  }
0x6e: {  	[sflag:s15] =	ssyncset.done $0x0  }
0x6f: {  	s0 =	simm.s32 $0x0;
	[sflag:s15] =	ssyncadd.s32 $0xFFFFEC00  }
0x70: {  	v2 =	vld [tilespmem:s0+$0x140]  }
0x71: {  	v3 =	vld [tilespmem:s0+$0x3D40];
	_ =	sdelay $0x1  }
0x72: {  	v4 =	vld [tilespmem:s0+$0x1540];
	_ =	sdelay $0x2  }
0x73: {  	v2 =	vadd.f32 v2, v3;
	_ =	sdelay $0x1  }
0x74: {  	v2 =	vadd.f32 v4, v2;
	_ =	sdelay $0x1  }
0x75: {  	v3 =	vsub.f32 $0.0e+00, v2;
	_ =	sdelay $0x1  }
0x76: {  	v3 =	vmul.f32 $1.442695020e+00, v3;
	_ =	sdelay $0x1  }
0x77: {  	[tilespmem:s0+$0x5140] =	vst v2;
	(erf) = vpow2.f32 v3;
	v3 =	vmul.f32 v2, v2  }
0x78: {  	[tilespmem:s16+$0x0] =	vst.add.f32.msk $0xffff, v2  }
0x79: {  	[tilespmem:s19+$0x0] =	vst.add.f32.msk $0xffff, v3  }
0x7a: {  	v2 =	vld [tilespmem:s0+$0x3D50]  }
0x7b: {  	v3 =	vld [tilespmem:s0+$0x150];
	_ =	sdelay $0x1  }
0x7c: {  	v4 =	vld [tilespmem:s0+$0x1550];
	_ =	sdelay $0x2  }
0x7d: {  	v2 =	vadd.f32 v3, v2;
	v5 =	vpop (erf)  }
0x7e: {  	v3 =	vadd.f32 $1.000000000e+00, v5  }
0x7f: {  	v2 =	vadd.f32 v4, v2  }
0x80: {  	(erf) = vrcp.f32 v3  }
0x81: {  	v3 =	vsub.f32 $0.0e+00, v2;
	_ =	sdelay $0x1  }
0x82: {  	v3 =	vmul.f32 $1.442695020e+00, v3;
	_ =	sdelay $0x1  }
0x83: {  	v4 =	vld [tilespmem:s0+$0x2940];
	(erf) = vpow2.f32 v3;
	_ =	sdelay $0x3  }
0x84: {  	v3 =	vpop (erf)  }
0x85: {  	[tilespmem:s0+$0x5150] =	vst v2;
	v4 =	vmul.f32 v3, v4  }
0x86: {  	[tilespmem:s0+$0x6540] =	vst v3  }
0x87: {  	v3 =	vmul.f32 v2, v2;
	[tilespmem:s0+$0x7940] =	vst v4  }
0x88: {  	[tilespmem:s20+$0x0] =	vst.add.f32.msk $0xffff, v2  }
0x89: {  	v2 =	vpop (erf);
	[tilespmem:s12+$0x0] =	vst.add.f32.msk $0xffff, v3  }
0x8a: {  	v2 =	vadd.f32 $1.000000000e+00, v2;
	v3 =	vld [tilespmem:s0+$0x3D60]  }
0x8b: {  	v4 =	vld [tilespmem:s0+$0x160]  }
0x8c: {  	(erf) = vrcp.f32 v2  }
0x8d: {  	v2 =	vld [tilespmem:s0+$0x1560];
	_ =	sdelay $0x2  }
0x8e: {  	v3 =	vadd.f32 v4, v3  }
0x8f: {  	v4 =	vld [tilespmem:s0+$0x2950]  }
0x90: {  	v2 =	vadd.f32 v2, v3;
	_ =	sdelay $0x1  }
0x91: {  	v3 =	vsub.f32 $0.0e+00, v2  }
0x92: {  	v5 =	vpop (erf)  }
0x93: {  	[tilespmem:s0+$0x5160] =	vst v2;
	v3 =	vmul.f32 $1.442695020e+00, v3;
	v4 =	vmul.f32 v5, v4  }
0x94: {  	[tilespmem:s0+$0x6550] =	vst v5  }
0x95: {  	(erf) = vpow2.f32 v3;
	[tilespmem:s0+$0x7950] =	vst v4;
	v3 =	vmul.f32 v2, v2  }
0x96: {  	[tilespmem:s17+$0x0] =	vst.add.f32.msk $0xffff, v2  }
0x97: {  	[tilespmem:s18+$0x0] =	vst.add.f32.msk $0xffff, v3  }
0x98: {  	v2 =	vld [tilespmem:s0+$0x3D70]  }
0x99: {  	v3 =	vld [tilespmem:s0+$0x170];
	_ =	sdelay $0x1  }
0x9a: {  	v4 =	vld [tilespmem:s0+$0x1570];
	_ =	sdelay $0x2  }
0x9b: {  	v2 =	vadd.f32 v3, v2  }
0x9c: {  	v5 =	vpop (erf)  }
0x9d: {  	v3 =	vadd.f32 $1.000000000e+00, v5;
	v2 =	vadd.f32 v4, v2;
	_ =	sdelay $0x1  }
0x9e: {  	(erf) = vrcp.f32 v3;
	v3 =	vsub.f32 $0.0e+00, v2;
	_ =	sdelay $0x1  }
0x9f: {  	v3 =	vmul.f32 $1.442695020e+00, v3;
	_ =	sdelay $0x1  }
0xa0: {  	(erf) = vpow2.f32 v3  }
0xa1: {  	v4 =	vld [tilespmem:s0+$0x2960];
	_ =	sdelay $0x3  }
0xa2: {  	v3 =	vpop (erf)  }
0xa3: {  	[tilespmem:s0+$0x5170] =	vst v2;
	v4 =	vmul.f32 v3, v4  }
0xa4: {  	[tilespmem:s0+$0x6560] =	vst v3  }
0xa5: {  	[tilespmem:s0+$0x7960] =	vst v4  }
0xa6: {  	v3 =	vmul.f32 v2, v2;
	[tilespmem:s1+$0x0] =	vst.add.f32.msk $0xffff, v2;
	v2 =	vpop (erf)  }
0xa7: {  	v5 =	vadd.f32 $1.000000000e+00, v2;
	_ =	sdelay $0x1  }
0xa8: {  	s25 =	simm.s32 $0x40;
	[tilespmem:s2+$0x0] =	vst.add.f32.msk $0xffff, v3;
	(erf) = vrcp.f32 v5  }
0xa9: {  	v3 =	vld [tilespmem:s25+$0x140]  }
0xaa: {  	v4 =	vld [tilespmem:s25+$0x3D40]  }
0xab: {  	v2 =	vld [tilespmem:s0+$0x2970]  }
0xac: {  	s3 =	simm.s32 $0x200;
	v5 =	vld [tilespmem:s25+$0x1540]  }
.LBB2_7:
0xad: {  	_ = 	snop  }
0xae: {  	p1 =	sne.s32 s3, $0x4F00;
	s4 =	smov.u32 s3;
	s3 =	sadd.s32 $0x100, s3  }
0xaf: {  	v3 =	vadd.f32 v3, v4;
	_ =	sdelay $0x1  }
0xb0: {  	v3 =	vadd.f32 v5, v3;
	v4 =	vpop (erf)  }
0xb1: {  	[tilespmem:s0+$0x6570] =	vst v4;
	v2 =	vmul.f32 v4, v2  }
0xb2: {  	[tilespmem:s25+$0x5140] =	vst v3;
	v4 =	vsub.f32 $0.0e+00, v3  }
0xb3: {  	v5 =	vmul.f32 v3, v3;
	[tilespmem:s0+$0x7970] =	vst v2;
	s0 =	smov.u32 s25  }
0xb4: {  	[tilespmem:s16+$0x0] =	vst.add.f32.msk $0xffff, v3;
	v2 =	vmul.f32 $1.442695020e+00, v4  }
0xb5: {  	[tilespmem:s19+$0x0] =	vst.add.f32.msk $0xffff, v5  }
0xb6: {  	v3 =	vld [tilespmem:s0+$0x3D50];
	(erf) = vpow2.f32 v2  }
0xb7: {  	v2 =	vld [tilespmem:s0+$0x150];
	_ =	sdelay $0x1  }
0xb8: {  	v4 =	vld [tilespmem:s0+$0x1550];
	_ =	sdelay $0x2  }
0xb9: {  	v2 =	vadd.f32 v2, v3;
	_ =	sdelay $0x1  }
0xba: {  	v2 =	vadd.f32 v4, v2  }
0xbb: {  	v3 =	vpop (erf)  }
0xbc: {  	v3 =	vadd.f32 $1.000000000e+00, v3;
	v4 =	vsub.f32 $0.0e+00, v2;
	_ =	sdelay $0x1  }
0xbd: {  	v4 =	vmul.f32 $1.442695020e+00, v4;
	(erf) = vrcp.f32 v3;
	_ =	sdelay $0x1  }
0xbe: {  	(erf) = vpow2.f32 v4;
	_ =	sdelay $0x2  }
0xbf: {  	v3 =	vld [tilespmem:s0+$0x2940];
	_ =	sdelay $0x3  }
0xc0: {  	v4 =	vpop (erf)  }
0xc1: {  	v3 =	vmul.f32 v4, v3;
	[tilespmem:s0+$0x5150] =	vst v2  }
0xc2: {  	[tilespmem:s0+$0x6540] =	vst v4;
	v4 =	vpop (erf)  }
0xc3: {  	[tilespmem:s0+$0x7940] =	vst v3;
	v3 =	vmul.f32 v2, v2;
	v4 =	vadd.f32 $1.000000000e+00, v4  }
0xc4: {  	[tilespmem:s20+$0x0] =	vst.add.f32.msk $0xffff, v2  }
0xc5: {  	[tilespmem:s12+$0x0] =	vst.add.f32.msk $0xffff, v3;
	(erf) = vrcp.f32 v4  }
0xc6: {  	v2 =	vld [tilespmem:s0+$0x3D60]  }
0xc7: {  	v3 =	vld [tilespmem:s0+$0x160];
	_ =	sdelay $0x1  }
0xc8: {  	v4 =	vld [tilespmem:s0+$0x1560]  }
0xc9: {  	v5 =	vld [tilespmem:s0+$0x2950];
	_ =	sdelay $0x1  }
0xca: {  	v2 =	vadd.f32 v3, v2;
	_ =	sdelay $0x1  }
0xcb: {  	v2 =	vadd.f32 v4, v2;
	v3 =	vpop (erf)  }
0xcc: {  	[tilespmem:s0+$0x6550] =	vst v3;
	v3 =	vmul.f32 v3, v5  }
0xcd: {  	[tilespmem:s0+$0x5160] =	vst v2;
	v4 =	vsub.f32 $0.0e+00, v2  }
0xce: {  	[tilespmem:s0+$0x7950] =	vst v3;
	v3 =	vmul.f32 v2, v2  }
0xcf: {  	[tilespmem:s17+$0x0] =	vst.add.f32.msk $0xffff, v2;
	v2 =	vmul.f32 $1.442695020e+00, v4  }
0xd0: {  	[tilespmem:s18+$0x0] =	vst.add.f32.msk $0xffff, v3  }
0xd1: {  	v3 =	vld [tilespmem:s0+$0x3D70];
	(erf) = vpow2.f32 v2  }
0xd2: {  	v2 =	vld [tilespmem:s0+$0x170]  }
0xd3: {  	v4 =	vld [tilespmem:s0+$0x1570]  }
0xd4: {  	v5 =	vld [tilespmem:s0+$0x2960];
	_ =	sdelay $0x2  }
0xd5: {  	v2 =	vadd.f32 v2, v3;
	_ =	sdelay $0x1  }
0xd6: {  	v2 =	vadd.f32 v4, v2  }
0xd7: {  	v3 =	vpop (erf)  }
0xd8: {  	v3 =	vadd.f32 $1.000000000e+00, v3;
	[tilespmem:s0+$0x5170] =	vst v2;
	v4 =	vsub.f32 $0.0e+00, v2;
	_ =	sdelay $0x1  }
0xd9: {  	v4 =	vmul.f32 $1.442695020e+00, v4;
	(erf) = vrcp.f32 v3;
	_ =	sdelay $0x1  }
0xda: {  	(erf) = vpow2.f32 v4;
	_ =	sdelay $0x6  }
0xdb: {  	v3 =	vpop (erf)  }
0xdc: {  	[tilespmem:s0+$0x6560] =	vst v3;
	v3 =	vmul.f32 v3, v5  }
0xdd: {  	v4 =	vpop (erf)  }
0xde: {  	s25 =	sshra.s32 s4, $0x2;
	[tilespmem:s0+$0x7960] =	vst v3;
	v3 =	vmul.f32 v2, v2;
	v4 =	vadd.f32 $1.000000000e+00, v4  }
0xdf: {  	[tilespmem:s1+$0x0] =	vst.add.f32.msk $0xffff, v2  }
.Ltmp3:
0xe0: {  	[tilespmem:s2+$0x0] =	vst.add.f32.msk $0xffff, v3;
	(erf) = vrcp.f32 v4;
	(pc) =	sbr.rel @p1 .LBB2_7-.Ltmp3, $4  }
0xe1: {  	v3 =	vld [tilespmem:s25+$0x140]  }
0xe2: {  	v4 =	vld [tilespmem:s25+$0x3D40]  }
0xe3: {  	v2 =	vld [tilespmem:s0+$0x2970]  }
0xe4: {  	v5 =	vld [tilespmem:s25+$0x1540]  }
0xe5: {  	_ =	sdelay $0x1  }
0xe6: {  	v3 =	vadd.f32 v3, v4;
	_ =	sdelay $0x1  }
0xe7: {  	v3 =	vadd.f32 v5, v3;
	v55 =	vpop (erf)  }
0xe8: {  	[tilespmem:s0+$0x6570] =	vst v55;
	v2 =	vmul.f32 v55, v2  }
0xe9: {  	[tilespmem:s25+$0x5140] =	vst v3;
	v56 =	vsub.f32 $0.0e+00, v3  }
0xea: {  	v5 =	vmul.f32 v3, v3;
	[tilespmem:s0+$0x7970] =	vst v2  }
0xeb: {  	[tilespmem:s16+$0x0] =	vst.add.f32.msk $0xffff, v3;
	v2 =	vmul.f32 $1.442695020e+00, v56  }
0xec: {  	[tilespmem:s19+$0x0] =	vst.add.f32.msk $0xffff, v5  }
0xed: {  	v3 =	vld [tilespmem:s25+$0x3D50];
	(erf) = vpow2.f32 v2  }
0xee: {  	v2 =	vld [tilespmem:s25+$0x150];
	_ =	sdelay $0x1  }
0xef: {  	v57 =	vld [tilespmem:s25+$0x1550];
	_ =	sdelay $0x2  }
0xf0: {  	v2 =	vadd.f32 v2, v3;
	_ =	sdelay $0x1  }
0xf1: {  	v2 =	vadd.f32 v57, v2  }
0xf2: {  	v3 =	vpop (erf)  }
0xf3: {  	v4 =	vsub.f32 $0.0e+00, v2;
	v3 =	vadd.f32 $1.000000000e+00, v3;
	_ =	sdelay $0x1  }
0xf4: {  	v4 =	vmul.f32 $1.442695020e+00, v4;
	(erf) = vrcp.f32 v3;
	_ =	sdelay $0x1  }
0xf5: {  	(erf) = vpow2.f32 v4;
	_ =	sdelay $0x2  }
0xf6: {  	v3 =	vld [tilespmem:s25+$0x2940];
	_ =	sdelay $0x3  }
0xf7: {  	v58 =	vpop (erf)  }
0xf8: {  	[tilespmem:s25+$0x5150] =	vst v2;
	v3 =	vmul.f32 v58, v3  }
0xf9: {  	[tilespmem:s25+$0x6540] =	vst v58;
	v59 =	vpop (erf)  }
0xfa: {  	v4 =	vadd.f32 $1.000000000e+00, v59;
	[tilespmem:s25+$0x7940] =	vst v3;
	v3 =	vmul.f32 v2, v2  }
0xfb: {  	[tilespmem:s20+$0x0] =	vst.add.f32.msk $0xffff, v2  }
0xfc: {  	(erf) = vrcp.f32 v4;
	[tilespmem:s12+$0x0] =	vst.add.f32.msk $0xffff, v3  }
0xfd: {  	v2 =	vld [tilespmem:s25+$0x3D60]  }
0xfe: {  	v3 =	vld [tilespmem:s25+$0x160];
	_ =	sdelay $0x1  }
0xff: {  	v60 =	vld [tilespmem:s25+$0x1560]  }
0x100: {  	v5 =	vld [tilespmem:s25+$0x2950];
	_ =	sdelay $0x1  }
0x101: {  	v2 =	vadd.f32 v3, v2;
	_ =	sdelay $0x1  }
0x102: {  	v2 =	vadd.f32 v60, v2;
	v3 =	vpop (erf)  }
0x103: {  	[tilespmem:s25+$0x6550] =	vst v3;
	v3 =	vmul.f32 v3, v5  }
0x104: {  	[tilespmem:s25+$0x5160] =	vst v2  }
0x105: {  	v4 =	vsub.f32 $0.0e+00, v2;
	[tilespmem:s25+$0x7950] =	vst v3;
	v3 =	vmul.f32 v2, v2  }
0x106: {  	[tilespmem:s17+$0x0] =	vst.add.f32.msk $0xffff, v2  }
0x107: {  	v2 =	vmul.f32 $1.442695020e+00, v4;
	[tilespmem:s18+$0x0] =	vst.add.f32.msk $0xffff, v3  }
0x108: {  	v3 =	vld [tilespmem:s25+$0x3D70]  }
0x109: {  	(erf) = vpow2.f32 v2;
	v2 =	vld [tilespmem:s25+$0x170];
	_ =	sdelay $0x1  }
0x10a: {  	v61 =	vld [tilespmem:s25+$0x1570];
	_ =	sdelay $0x2  }
0x10b: {  	v2 =	vadd.f32 v2, v3;
	_ =	sdelay $0x1  }
0x10c: {  	v2 =	vadd.f32 v61, v2;
	_ =	sdelay $0x1  }
0x10d: {  	v3 =	vpop (erf);
	v4 =	vsub.f32 $0.0e+00, v2  }
0x10e: {  	v3 =	vadd.f32 $1.000000000e+00, v3  }
0x10f: {  	v4 =	vmul.f32 $1.442695020e+00, v4  }
0x110: {  	(erf) = vrcp.f32 v3  }
0x111: {  	(erf) = vpow2.f32 v4;
	_ =	sdelay $0x6  }
0x112: {  	v3 =	vld [tilespmem:s25+$0x2960]  }
0x113: {  	v62 =	vpop (erf)  }
0x114: {  	v63 =	vpop (erf)  }
0x115: {  	v5 =	vadd.f32 $1.000000000e+00, v63;
	_ =	sdelay $0x1  }
0x116: {  	[tilespmem:s25+$0x5170] =	vst v2;
	v3 =	vmul.f32 v62, v3;
	(erf) = vrcp.f32 v5  }
0x117: {  	[tilespmem:s25+$0x6560] =	vst v62  }
0x118: {  	[tilespmem:s25+$0x7960] =	vst v3;
	v3 =	vmul.f32 v2, v2  }
0x119: {  	[tilespmem:s1+$0x0] =	vst.add.f32.msk $0xffff, v2  }
0x11a: {  	[tilespmem:s2+$0x0] =	vst.add.f32.msk $0xffff, v3  }
0x11b: {  	v2 =	vld [tilespmem:s25+$0x2970];
	_ =	sdelay $0x3  }
0x11c: {  	v3 =	vpop (erf)  }
0x11d: {  	v2 =	vmul.f32 v3, v2  }
0x11e: {  	[tilespmem:s25+$0x6570] =	vst v3  }
0x11f: {  	s29 =	sadd.s32 s11, s29;
	s3 =	simm.s32 $0x5140;
	[tilespmem:s25+$0x7970] =	vst v2  }
0x120: {  	[hbm4b:s29+s30] =	stream.strided.scatter [tilespmem:s3], [sflag:$0x4], $0x1400, s31, s30, $0x38;
	[tilespmem:$0x1DA40] =	vst v63  }
0x121: {  	_ =	swait.ge [sflag:s22], $0x1400  }
0x122: {  	[sflag:s22] =	ssyncset.done $0x0  }
0x123: {  	[sflag:s22] =	ssyncadd.s32 $0xFFFFEC00  }
0x124: {  	s4 =	simm.s32 $0x6540;
	s3 =	rddreg [dreg:$0x4]  }
0x125: {  	[spmem:s3] =	stream.indirect.scatter.add.f32 [tilespmem:s4], [sflag:$0x4], $0x40, s23, s23, $0xb8;
	[tilespmem:$0x1DA40] =	vst v63  }
0x126: {  	_ =	swait.ge [sflag:s22], $0x1400  }
0x127: {  	s28 =	sadd.s32 $0x1, s28;
	[sflag:s22] =	ssyncset.done $0x0  }
0x128: {  	p1 =	sne.s32 s28, $0xFA;
	[sflag:s22] =	ssyncadd.s32 $0xFFFFEC00  }
.Ltmp4:
0x129: {  	s29 =	simm.s32 $0x7940;
	s25 =	rddreg [dreg:$0x3];
	(pc) =	sbr.rel @p1 .LBB2_6-.Ltmp4, $4  }
0x12a: {  	[spmem:s25] =	stream.indirect.scatter.add.f32 [tilespmem:s29], [sflag:$0x4], $0x40, s23, s23, $0xb8;
	[tilespmem:$0x1DA40] =	vst v63  }
0x12b: {  	_ =	swait.ge [sflag:s22], $0x1400  }
0x12c: {  	[sflag:s22] =	ssyncset.done $0x0  }
0x12d: {  	[sflag:s22] =	ssyncadd.s32 $0xFFFFEC00  }
.Ltmp5:
0x12e: {  	(pc) =	sbr.rel @!p0 .LBB2_10-.Ltmp5, $4  }
0x12f: {  	[bflag:$0x0] =	sbarrier.arrive $0xFFFF  }
0x130: {  	s28 =	stileid.u32;
	s25 =	rddreg [dreg:$0xb]  }
0x131: {  	p1 =	por $0x0, $0x0;
	s0 =	rddreg [dreg:$0x8];
	s4 =	sshrl.u32 s25, $0x3  }
0x132: {  	s3 =	sadd.s32 $0xFFFFFFFF, s0;
	s0 =	sshll.u32 s28, $0x6;
	s29 =	sadd.s32 $0x1400, s25  }
0x133: {  	s25 =	sor.u32 $0x1C04, s0  }
0x134: {  	s8 =	rddreg [dreg:$0xe];
	p0 =	sne.s32 s3, $0x1;
	s28 =	sadd.s32 $0xFFFFFFFF, s3  }
0x135: {  	[hbm:s8], [sflag:s25] =	dma.local [spmem:s4], $0x280  }
0x136: {  	p1 =	por $0x1, $0x1;
	s3 =	sadd.s32 $0x280, s8;
	_ =	swait.ge [sflag:s22], $0x280  }
.Ltmp6:
0x137: {  	[sflag:s22] =	ssyncset.done $0x0;
	s7 =	rddreg [dreg:$0xc];
	(pc) =	sbr.rel @!p0 .LBB2_12-.Ltmp6, $4  }
0x138: {  	s8 =	rddreg [dreg:$0xd];
	[sflag:s22] =	ssyncadd.s32 $0xFFFFFD80;
	s26 =	sshrl.u32 s7, $0x3  }
0x139: {  	[hbm:s8], [sflag:s25] =	dma.local [spmem:s26], $0x280  }
0x13a: {  	s4 =	sshrl.u32 s29, $0x3;
	s29 =	sadd.s32 $0x1400, s29;
	_ =	swait.ge [sflag:s22], $0x280  }
0x13b: {  	s25 =	sadd.s32 $0x1400, s7;
	s26 =	sadd.s32 $0x280, s8;
	[sflag:s22] =	ssyncset.done $0x0  }
.LBB2_13:
0x13c: {  	s7 =	sshrl.u32 s29, $0x3;
	s8 =	sor.u32 $0x1C04, s0;
	[sflag:s22] =	ssyncadd.s32 $0xFFFFFD80  }
0x13d: {  	[hbm:s3], [sflag:s8] =	dma.local [spmem:s4], $0x280  }
0x13e: {  	p0 =	sne.s32 s28, $0x1;
	s28 =	sadd.s32 $0xFFFFFFFF, s28;
	_ =	swait.ge [sflag:s22], $0x280  }
.Ltmp7:
0x13f: {  	s4 =	smov.u32 s7;
	[sflag:s22] =	ssyncset.done $0x0;
	(pc) =	sbr.rel @p0 .LBB2_13-.Ltmp7, $4  }
0x140: {  	s7 =	sshrl.u32 s25, $0x3;
	s3 =	sadd.s32 $0x280, s3;
	[sflag:s22] =	ssyncadd.s32 $0xFFFFFD80  }
0x141: {  	[hbm:s26], [sflag:s8] =	dma.local [spmem:s7], $0x280  }
0x142: {  	s25 =	sadd.s32 $0x1400, s25;
	s26 =	sadd.s32 $0x280, s26;
	_ =	swait.ge [sflag:s22], $0x280  }
0x143: {  	s29 =	sadd.s32 $0x1400, s29;
	[sflag:s22] =	ssyncset.done $0x0  }
0x144: {  	s7 =	rddreg [dreg:$0x1]  }
0x145: {  	s8 =	rddreg [dreg:$0x2]  }
0x146: {  	s28 =	rddreg [dreg:$0xf]  }
.LBB2_15:
0x147: {  	s0 =	sor.u32 $0x1C04, s0;
	[sflag:s22] =	ssyncadd.s32 @p1 $0xFFFFFD80  }
0x148: {  	[hbm:s3], [sflag:s0] =	dma.local [spmem:s4], $0x280  }
0x149: {  	_ =	swait.ge [sflag:s22], $0x280  }
0x14a: {  	[sflag:s22] =	ssyncset.done $0x0  }
0x14b: {  	s4 =	sshrl.u32 s25, $0x3;
	[sflag:s22] =	ssyncadd.s32 $0xFFFFFD80  }
0x14c: {  	[hbm:s26], [sflag:s0] =	dma.local [spmem:s4], $0x280  }
0x14d: {  	_ =	swait.ge [sflag:s22], $0x280  }
0x14e: {  	[sflag:s22] =	ssyncset.done $0x0  }
0x14f: {  	s25 =	simm.s32 $0x0;
	s26 =	rddreg [dreg:$0x9];
	[sflag:s22] =	ssyncadd.s32 $0xFFFFFD80  }
0x150: {  	[hbm4b:s26+s25] =	stream.linear.scatter [tilespmem:s16], [sflag:$0x4], $0x80, $0x38;
	[tilespmem:$0x1DA40] =	vst v63  }
0x151: {  	_ =	swait.ge [sflag:s22], $0x80  }
0x152: {  	s28 =	sadd.s32 $0x1, s28;
	s29 =	rddreg [dreg:$0xa]  }
0x153: {  	p0 =	sne.s32 s28, s29  }
.Ltmp8:
0x154: {  	_ = 	snop;
	(pc) =	sbr.rel @p0 .LBB2_1-.Ltmp8, $4  }
.Ltmp9:
0x155: {  	_ = 	snop;
	(pc) =	sbr.rel @!p0 .LBB2_16-.Ltmp9, $4  }
0x156: {  	_ = 	snop  }
0x157: {  	[sflag:s22] =	ssyncset.done $0x0  }
0x158: {  	[sflag:s22] =	ssyncadd.s32 $0xFFFFFF80  }
0x159: {  	_ = 	snop  }
.LBB2_10:
.Ltmp10:
0x15a: {  	(pc) =	sbr.rel .LBB2_15-.Ltmp10, $4  }
0x15b: {  	s3 =	rddreg [dreg:$0xe]  }
0x15c: {  	s25 =	rddreg [dreg:$0xc]  }
0x15d: {  	s26 =	rddreg [dreg:$0xd]  }
0x15e: {  	s28 =	rddreg [dreg:$0xf]  }
.LBB2_12:
.Ltmp11:
0x15f: {  	(pc) =	sbr.rel .LBB2_15-.Ltmp11, $4  }
0x160: {  	_ = 	snop  }
0x161: {  	s7 =	rddreg [dreg:$0x1]  }
0x162: {  	s8 =	rddreg [dreg:$0x2]  }
0x163: {  	s28 =	rddreg [dreg:$0xf]  }
.LBB2_16:
0x164: {  	_ =	sfence.sel $0x180000  }
0x165: {  	[bflag:$0x0] =	sbarrier.arrive $0xFFFF  }
0x166: {  	_ =	strace $0x90000047  }
0x167: {  	s0 =	stileid.u32;
	[bflag:$0x2] =	sbarrier.arrive $0xFFFF  }
0x168: {  	p0 =	sne.s32 s0, $0x0;
	s0 =	rddreg [dreg:$0x5]  }
0x169: {  	s0 =	sadd.s32 @!p0 $0x100000, s0  }
0x16a: {  	[sflag:s0] =	ssyncadd.tile.s32 @!p0 $0x1;
	_ =	shalt  }
.Lfunc_end2:
_tile_overlayer_lowered:
.L_overlay_start_2:
0x16b: {  	(tag) =	ssettag $0x2  }
0x16c: {  	s0 =	rddreg [dreg:$0x0];
	s2 =	stileid.u32  }
0x16d: {  	s1 =	rddreg [dreg:$0x1];
	p0 =	sne.s32 s2, $0x0  }
0x16e: {  	s3 =	rddreg [dreg:$0x2];
	[bflag:$0x3] =	sbarrier.arrive $0xFFFF;
	s2 =	simm.s32 @!p0 $0x1C04  }
0x16f: {  	[timem:s3], [sflag:s2] =	dma.local @!p0 [hbm:s0], s1  }
0x170: {  	s0 =	simm.s32 @!p0 $0x4  }
0x171: {  	_ =	swait.ge @!p0 [sflag:s0], s1  }
0x172: {  	s1 =	ssub.s32 @!p0 $0x0, s1;
	[sflag:s0] =	ssyncset.done @!p0 $0x0  }
0x173: {  	[sflag:s0] =	ssyncadd.s32 @!p0 s1  }
0x174: {  	[bflag:$0x3] =	sbarrier.arrive $0xFFFF  }
0x175: {  	_ =	shalt  }

</sc_bundles>
